<compile_context>
chip_gen: v7x
topology: tpu7x:2x2x1
jax: 0.10.2.dev20260603
libtpu: 0.0.44.dev20260713+nightly
codegen_flags: <defaults>
</compile_context>

<pallas_src>
import jax
import jax.numpy as jnp
from jax import lax
from jax.experimental import pallas as pl
from jax.experimental.pallas import tpu as pltpu
from jax.experimental.pallas import tpu_sc as plsc
import numpy as np

CLS_ID = 101
SEP_ID = 102
MAX_LENGTH = 4096
B = 16
LQ = 64
HALF = MAX_LENGTH // 2
NCHUNK = 2 * B
NPRE = 8
NVREG = HALF // 16
NMID = NVREG // 2


def _body(q_hbm, d_hbm, ql_hbm, dl_hbm,
          tok_hbm, mask_hbm, pid_hbm,
          q_v, d_v, lens_v, tok_v, mask_v, pid_v, sem_in, sem_out):
    nc = 2
    wid = lax.axis_index("s") * nc + lax.axis_index("c")
    row = wid // 2
    half = wid % 2
    base = (half * HALF).astype(jnp.int32)

    c_ql = pltpu.async_copy(ql_hbm, lens_v.at[pl.ds(0, B)], sem_in)
    c_dl = pltpu.async_copy(dl_hbm, lens_v.at[pl.ds(B, B)], sem_in)
    c_d1 = pltpu.async_copy(d_hbm.at[row, pl.ds(0, 128)],
                            d_v.at[pl.ds(0, 128)], sem_in)
    c_q = pltpu.async_copy(q_hbm.at[row], q_v, sem_in)
    c_d2 = pltpu.async_copy(d_hbm.at[row, pl.ds(128, MAX_LENGTH - 128)],
                            d_v.at[pl.ds(128, MAX_LENGTH - 128)], sem_in)
    c_ql.wait()
    c_dl.wait()

    row_v = jnp.full((16,), row, jnp.int32)
    qlen = plsc.load_gather(lens_v, [row_v])
    dlen = plsc.load_gather(lens_v, [row_v + np.int32(B)])
    dlen_eff = jnp.minimum(dlen, np.int32(MAX_LENGTH - 2) - qlen)
    qoff = qlen + np.int32(2)
    qlen1 = qlen + np.int32(1)
    total = qoff + dlen_eff
    lane = lax.iota(jnp.int32, 16)

    @plsc.parallel_loop(jnp.int32(0), jnp.int32(NVREG),
                        step=jnp.int32(1), unroll=8)
    def _mp(i):
        off = i * np.int32(16)
        p = lane + base + off
        in_seq = p < total
        mask_v[pl.ds(off, 16)] = jnp.where(in_seq, np.float32(1.0),
                                           np.float32(0.0))
        pid_v[pl.ds(off, 16)] = jnp.where(p <= qlen, p,
                                jnp.where(in_seq, p - qlen1, np.int32(0)))

    o_mask = pltpu.async_copy(mask_v, mask_hbm.at[wid], sem_out)
    o_pid = pltpu.async_copy(pid_v, pid_hbm.at[wid], sem_out)

    c_q.wait()
    c_d1.wait()

    @pl.when(half == 0)
    def _prefix():
        for i in range(NPRE):
            p = lane + np.int32(16 * i)
            q_idx = jnp.clip(p - np.int32(1), np.int32(0), np.int32(LQ - 1))
            q_tok = plsc.load_gather(q_v, [q_idx])
            d_idx = jnp.clip(p - qoff, np.int32(0), np.int32(126))
            d_tok = plsc.load_gather(d_v, [d_idx])
            tok_v[pl.ds(16 * i, 16)] = (
                jnp.where(p == np.int32(0), np.int32(CLS_ID),
                jnp.where(p <= qlen, q_tok,
                jnp.where(p == qlen1, np.int32(SEP_ID),
                jnp.where(p < total, d_tok, np.int32(0))))))

    c_d2.wait()

    bulk_lo = jnp.where(half == 0, jnp.int32(NPRE), jnp.int32(0))

    @plsc.parallel_loop(bulk_lo, jnp.int32(NMID),
                        step=jnp.int32(1), unroll=8)
    def _bulk_a(i):
        off = i * np.int32(16)
        p = lane + base + off
        d_tok = plsc.load_gather(d_v, [p - qoff])
        tok_v[pl.ds(off, 16)] = jnp.where(p < total, d_tok, np.int32(0))

    o_tok1 = pltpu.async_copy(tok_v.at[pl.ds(0, NMID * 16)],
                              tok_hbm.at[wid, pl.ds(0, NMID * 16)], sem_out)

    @plsc.parallel_loop(jnp.int32(NMID), jnp.int32(96),
                        step=jnp.int32(1), unroll=8)
    def _bulk_b(i):
        off = i * np.int32(16)
        p = lane + base + off
        d_tok = plsc.load_gather(d_v, [p - qoff])
        tok_v[pl.ds(off, 16)] = jnp.where(p < total, d_tok, np.int32(0))

    o_tok2 = pltpu.async_copy(tok_v.at[pl.ds(NMID * 16, 512)],
                              tok_hbm.at[wid, pl.ds(NMID * 16, 512)],
                              sem_out)

    @plsc.parallel_loop(jnp.int32(96), jnp.int32(NVREG),
                        step=jnp.int32(1), unroll=8)
    def _bulk_c(i):
        off = i * np.int32(16)
        p = lane + base + off
        d_tok = plsc.load_gather(d_v, [p - qoff])
        tok_v[pl.ds(off, 16)] = jnp.where(p < total, d_tok, np.int32(0))

    o_tok3 = pltpu.async_copy(tok_v.at[pl.ds(96 * 16, 512)],
                              tok_hbm.at[wid, pl.ds(96 * 16, 512)],
                              sem_out)
    o_mask.wait()
    o_pid.wait()
    o_tok1.wait()
    o_tok2.wait()
    o_tok3.wait()


_MESH = plsc.VectorSubcoreMesh(core_axis_name="c", subcore_axis_name="s")

_run = pl.kernel(
    _body,
    out_type=(
        jax.ShapeDtypeStruct((NCHUNK, HALF), jnp.int32),
        jax.ShapeDtypeStruct((NCHUNK, HALF), jnp.float32),
        jax.ShapeDtypeStruct((NCHUNK, HALF), jnp.int32),
    ),
    mesh=_MESH,
    compiler_params=pltpu.CompilerParams(needs_layout_passes=False),
    scratch_types=[
        pltpu.VMEM((LQ,), jnp.int32),
        pltpu.VMEM((MAX_LENGTH,), jnp.int32),
        pltpu.VMEM((2 * B,), jnp.int32),
        pltpu.VMEM((HALF,), jnp.int32),
        pltpu.VMEM((HALF,), jnp.float32),
        pltpu.VMEM((HALF,), jnp.int32),
        pltpu.SemaphoreType.DMA,
        pltpu.SemaphoreType.DMA,
    ],
)


def kernel(query, document, q_lens, d_lens):
    q32 = query.astype(jnp.int32)
    d32 = document.astype(jnp.int32)
    tok, mask, pid = _run(q32, d32, q_lens, d_lens)
    tok = tok.reshape(B, MAX_LENGTH).astype(query.dtype)
    mask = mask.reshape(B, MAX_LENGTH)
    pid = pid.reshape(B, MAX_LENGTH).astype(jnp.int64)
    return tok, mask, pid

# --- scband reference (transcript-rebuilt; emitter-appended) ---
"""Pipeline reference for scband-bert-data-preprocessor-41437844471930 (READ-ONLY COPY).

The authoritative reference and input builder live on the scoring server;
editing this copy changes nothing except your own understanding.
"""

import jax, jax.numpy as jnp
import numpy as np
jax.config.update("jax_enable_x64", True)

CLS_ID = 101
SEP_ID = 102
PAD_ID = 0
MAX_LENGTH = 4096
VOCAB = 30522


def setup_inputs(seed: int = 0) -> dict:
    key = jax.random.key(seed)
    k1, k2, k3, k4 = jax.random.split(key, 4)
    query = jax.random.randint(k1, (16, 64), 0, VOCAB, dtype=jnp.int64)
    document = jax.random.randint(k2, (16, 4096), 0, VOCAB, dtype=jnp.int64)
    q_lens = jax.random.randint(k3, (16,), 0, 64, dtype=jnp.int32)
    d_lens = jax.random.randint(k4, (16,), 0, 4096, dtype=jnp.int32)
    return {"query": query, "document": document, "q_lens": q_lens, "d_lens": d_lens}


def _forward(query, document, q_lens, d_lens):
    B, Lq = query.shape
    _, Ld = document.shape
    pos = jnp.arange(MAX_LENGTH)

    def row(q, qlen, d, dlen):
        # truncate document so that len(q) + len(d) + 2 <= max_length
        dlen_eff = jnp.minimum(dlen, MAX_LENGTH - qlen - 2)
        total = qlen + 2 + dlen_eff  # [CLS] + q + [SEP] + d
        # layout: pos 0 -> CLS, pos 1..qlen -> q, pos qlen+1 -> SEP,
        #         pos qlen+2 .. qlen+1+dlen_eff -> d, rest -> PAD
        q_tok = q[jnp.clip(pos - 1, 0, Lq - 1)]
        d_tok = d[jnp.clip(pos - qlen - 2, 0, Ld - 1)]
        tok = jnp.where(pos == 0, CLS_ID,
              jnp.where(pos <= qlen, q_tok,
              jnp.where(pos == qlen + 1, SEP_ID,
              jnp.where(pos < total, d_tok, PAD_ID))))
        # PaddedSequence.mask(on=1.0, off=0.0)
        mask = (pos < total).astype(jnp.float32)
        # position ids: list(range(0, len(q)+1)) + list(range(0, len(d)+1)), padded with 0
        pid = jnp.where(pos <= qlen, pos,
              jnp.where(pos < total, pos - qlen - 1, 0))
        return tok, mask, pid

    bert_input, attention_masks, positions = jax.vmap(row)(query, q_lens, document, d_lens)
    return bert_input, attention_masks, positions


def reference(query, document, q_lens, d_lens):
    return _forward(query, document, q_lens, d_lens)

if __name__ == "__main__":
    import jax
    _d = setup_inputs()
    print(jax.jit(kernel)(*tuple(_d.values())))

</pallas_src>

<mosaic_0001>
#map = affine_map<(d0, d1) -> (0, 0)>
#map1 = affine_map<(d0, d1) -> (0)>
module attributes {stable_mosaic.version = 14 : i64} {
  func.func @_body(%arg0: i32, %arg1: i32, %arg2: memref<16x64xi32, #tpu.memory_space<hbm>>, %arg3: memref<16x4096xi32, #tpu.memory_space<hbm>>, %arg4: memref<16xi32, #tpu.memory_space<hbm>>, %arg5: memref<16xi32, #tpu.memory_space<hbm>>, %arg6: memref<32x2048xi32, #tpu.memory_space<hbm>>, %arg7: memref<32x2048xf32, #tpu.memory_space<hbm>>, %arg8: memref<32x2048xi32, #tpu.memory_space<hbm>>, %arg9: memref<64xi32, #tpu.memory_space<vmem>>, %arg10: memref<4096xi32, #tpu.memory_space<vmem>>, %arg11: memref<32xi32, #tpu.memory_space<vmem>>, %arg12: memref<2048xi32, #tpu.memory_space<vmem>>, %arg13: memref<2048xf32, #tpu.memory_space<vmem>>, %arg14: memref<2048xi32, #tpu.memory_space<vmem>>, %arg15: memref<!tpu.dma_semaphore, #tpu.memory_space<semaphore_mem>>, %arg16: memref<!tpu.dma_semaphore, #tpu.memory_space<semaphore_mem>>) attributes {dimension_semantics = [#tpu.dimension_semantics<core_parallel>, #tpu.dimension_semantics<subcore_parallel>], iteration_bounds = array<i64: 2, 16>, scalar_prefetch = 0 : i64, scratch_operands = 8 : i64, tpu.core_type = #tpu.core_type<sc_vector_subcore>, window_params = [{transform_indices = #map}, {transform_indices = #map}, {transform_indices = #map1}, {transform_indices = #map1}, {transform_indices = #map}, {transform_indices = #map}, {transform_indices = #map}]} {
    %mul3A = arith.constant 2 : i32
    %mul3A_0 = arith.muli %arg1, %mul3A : i32
    %add3A = arith.addi %mul3A_0, %arg0 : i32
    %jit3A = arith.constant 2 : i64
    %convert_element_type3A = arith.trunci %jit3A : i64 to i32
    %div3A = arith.divsi %add3A, %convert_element_type3A : i32
    %sign3A = arith.constant 0 : i32
    %sign3A_1 = arith.cmpi sgt, %add3A, %sign3A : i32
    %sign3A_2 = arith.extui %sign3A_1 : i1 to i32
    %sign3A_3 = arith.constant 0 : i32
    %sign3A_4 = arith.cmpi slt, %add3A, %sign3A_3 : i32
    %sign3A_5 = arith.extui %sign3A_4 : i1 to i32
    %sign3A_6 = arith.subi %sign3A_2, %sign3A_5 : i32
    %sign3A_7 = arith.constant 0 : i32
    %sign3A_8 = arith.cmpi sgt, %convert_element_type3A, %sign3A_7 : i32
    %sign3A_9 = arith.extui %sign3A_8 : i1 to i32
    %sign3A_10 = arith.constant 0 : i32
    %sign3A_11 = arith.cmpi slt, %convert_element_type3A, %sign3A_10 : i32
    %sign3A_12 = arith.extui %sign3A_11 : i1 to i32
    %sign3A_13 = arith.subi %sign3A_9, %sign3A_12 : i32
    %ne3A = arith.cmpi ne, %sign3A_6, %sign3A_13 : i32
    %rem3A = arith.remsi %add3A, %convert_element_type3A : i32
    %ne3A_14 = arith.constant 0 : i32
    %ne3A_15 = arith.cmpi ne, %rem3A, %ne3A_14 : i32
    %and3A = arith.andi %ne3A, %ne3A_15 : i1
    %sub3A = arith.constant 1 : i32
    %sub3A_16 = arith.subi %div3A, %sub3A : i32
    %select_n3A = arith.select %and3A, %sub3A_16, %div3A : i32
    %jit3A_17 = arith.constant 2 : i64
    %convert_element_type3A_18 = arith.trunci %jit3A_17 : i64 to i32
    %eq3A = arith.constant 0 : i32
    %eq3A_19 = arith.cmpi eq, %convert_element_type3A_18, %eq3A : i32
    %jit3A_20 = arith.constant 1 : i32
    %select_n3A_21 = arith.select %eq3A_19, %jit3A_20, %convert_element_type3A_18 : i32
    %rem3A_22 = arith.remsi %add3A, %select_n3A_21 : i32
    %ne3A_23 = arith.constant 0 : i32
    %ne3A_24 = arith.cmpi ne, %rem3A_22, %ne3A_23 : i32
    %lt3A = arith.constant 0 : i32
    %lt3A_25 = arith.cmpi slt, %rem3A_22, %lt3A : i32
    %lt3A_26 = arith.constant 0 : i32
    %lt3A_27 = arith.cmpi slt, %select_n3A_21, %lt3A_26 : i32
    %ne3A_28 = arith.xori %lt3A_25, %lt3A_27 : i1
    %and3A_29 = arith.andi %ne3A_28, %ne3A_24 : i1
    %add3A_30 = arith.addi %rem3A_22, %select_n3A_21 : i32
    %select_n3A_31 = arith.select %and3A_29, %add3A_30, %rem3A_22 : i32
    %mul3A_32 = arith.constant 2048 : i32
    %mul3A_33 = arith.muli %select_n3A_31, %mul3A_32 : i32
    %dma_start3A = arith.constant 0 : i32
    %dma_start3A_34 = tpu.memref_slice %arg11[%dma_start3A] : memref<32xi32, #tpu.memory_space<vmem>> -> memref<16xi32, #tpu.memory_space<vmem>>
    %dma_start3A_35 = arith.constant 0 : i32
    %dma_start3A_36 = tpu.memref_slice %arg11[%dma_start3A_35] : memref<32xi32, #tpu.memory_space<vmem>> -> memref<16xi32, #tpu.memory_space<vmem>>
    tpu.enqueue_dma source(%arg4 : memref<16xi32, #tpu.memory_space<hbm>>) target(%dma_start3A_36 : memref<16xi32, #tpu.memory_space<vmem>>) target_semaphore(%arg15 : memref<!tpu.dma_semaphore, #tpu.memory_space<semaphore_mem>>)
    %dma_start3A_37 = arith.constant 16 : i32
    %dma_start3A_38 = tpu.memref_slice %arg11[%dma_start3A_37] : memref<32xi32, #tpu.memory_space<vmem>> -> memref<16xi32, #tpu.memory_space<vmem>>
    %dma_start3A_39 = arith.constant 16 : i32
    %dma_start3A_40 = tpu.memref_slice %arg11[%dma_start3A_39] : memref<32xi32, #tpu.memory_space<vmem>> -> memref<16xi32, #tpu.memory_space<vmem>>
    tpu.enqueue_dma source(%arg5 : memref<16xi32, #tpu.memory_space<hbm>>) target(%dma_start3A_40 : memref<16xi32, #tpu.memory_space<vmem>>) target_semaphore(%arg15 : memref<!tpu.dma_semaphore, #tpu.memory_space<semaphore_mem>>)
    %dma_start3A_41 = arith.constant 0 : i32
    %dma_start3A_42 = tpu.memref_slice %arg10[%dma_start3A_41] : memref<4096xi32, #tpu.memory_space<vmem>> -> memref<128xi32, #tpu.memory_space<vmem>>
    %dma_start3A_43 = arith.constant 0 : i32
    %dma_start3A_44 = tpu.memref_slice %arg3[%select_n3A, %dma_start3A_43] : memref<16x4096xi32, #tpu.memory_space<hbm>> -> memref<1x128xi32, #tpu.memory_space<hbm>>
    %dma_start3A_45 = tpu.memref_squeeze %dma_start3A_44 : memref<1x128xi32, #tpu.memory_space<hbm>> -> memref<128xi32, #tpu.memory_space<hbm>>
    %dma_start3A_46 = arith.constant 0 : i32
    %dma_start3A_47 = tpu.memref_slice %arg10[%dma_start3A_46] : memref<4096xi32, #tpu.memory_space<vmem>> -> memref<128xi32, #tpu.memory_space<vmem>>
    %dma_start3A_48 = arith.constant 0 : i32
    %dma_start3A_49 = tpu.memref_slice %arg3[%select_n3A, %dma_start3A_48] : memref<16x4096xi32, #tpu.memory_space<hbm>> -> memref<1x128xi32, #tpu.memory_space<hbm>>
    %dma_start3A_50 = tpu.memref_squeeze %dma_start3A_49 : memref<1x128xi32, #tpu.memory_space<hbm>> -> memref<128xi32, #tpu.memory_space<hbm>>
    tpu.enqueue_dma source(%dma_start3A_50 : memref<128xi32, #tpu.memory_space<hbm>>) target(%dma_start3A_47 : memref<128xi32, #tpu.memory_space<vmem>>) target_semaphore(%arg15 : memref<!tpu.dma_semaphore, #tpu.memory_space<semaphore_mem>>)
    %dma_start3A_51 = arith.constant 0 : i32
    %dma_start3A_52 = tpu.memref_slice %arg2[%select_n3A, %dma_start3A_51] : memref<16x64xi32, #tpu.memory_space<hbm>> -> memref<1x64xi32, #tpu.memory_space<hbm>>
    %dma_start3A_53 = tpu.memref_squeeze %dma_start3A_52 : memref<1x64xi32, #tpu.memory_space<hbm>> -> memref<64xi32, #tpu.memory_space<hbm>>
    %dma_start3A_54 = arith.constant 0 : i32
    %dma_start3A_55 = tpu.memref_slice %arg2[%select_n3A, %dma_start3A_54] : memref<16x64xi32, #tpu.memory_space<hbm>> -> memref<1x64xi32, #tpu.memory_space<hbm>>
    %dma_start3A_56 = tpu.memref_squeeze %dma_start3A_55 : memref<1x64xi32, #tpu.memory_space<hbm>> -> memref<64xi32, #tpu.memory_space<hbm>>
    tpu.enqueue_dma source(%dma_start3A_56 : memref<64xi32, #tpu.memory_space<hbm>>) target(%arg9 : memref<64xi32, #tpu.memory_space<vmem>>) target_semaphore(%arg15 : memref<!tpu.dma_semaphore, #tpu.memory_space<semaphore_mem>>)
    %dma_start3A_57 = arith.constant 128 : i32
    %dma_start3A_58 = tpu.memref_slice %arg10[%dma_start3A_57] : memref<4096xi32, #tpu.memory_space<vmem>> -> memref<3968xi32, #tpu.memory_space<vmem>>
    %dma_start3A_59 = arith.constant 128 : i32
    %dma_start3A_60 = tpu.memref_slice %arg3[%select_n3A, %dma_start3A_59] : memref<16x4096xi32, #tpu.memory_space<hbm>> -> memref<1x3968xi32, #tpu.memory_space<hbm>>
    %dma_start3A_61 = tpu.memref_squeeze %dma_start3A_60 : memref<1x3968xi32, #tpu.memory_space<hbm>> -> memref<3968xi32, #tpu.memory_space<hbm>>
    %dma_start3A_62 = arith.constant 128 : i32
    %dma_start3A_63 = tpu.memref_slice %arg10[%dma_start3A_62] : memref<4096xi32, #tpu.memory_space<vmem>> -> memref<3968xi32, #tpu.memory_space<vmem>>
    %dma_start3A_64 = arith.constant 128 : i32
    %dma_start3A_65 = tpu.memref_slice %arg3[%select_n3A, %dma_start3A_64] : memref<16x4096xi32, #tpu.memory_space<hbm>> -> memref<1x3968xi32, #tpu.memory_space<hbm>>
    %dma_start3A_66 = tpu.memref_squeeze %dma_start3A_65 : memref<1x3968xi32, #tpu.memory_space<hbm>> -> memref<3968xi32, #tpu.memory_space<hbm>>
    tpu.enqueue_dma source(%dma_start3A_66 : memref<3968xi32, #tpu.memory_space<hbm>>) target(%dma_start3A_63 : memref<3968xi32, #tpu.memory_space<vmem>>) target_semaphore(%arg15 : memref<!tpu.dma_semaphore, #tpu.memory_space<semaphore_mem>>)
    %dma_wait3A = arith.constant 0 : i32
    %dma_wait3A_67 = tpu.memref_slice %arg11[%dma_wait3A] : memref<32xi32, #tpu.memory_space<vmem>> -> memref<16xi32, #tpu.memory_space<vmem>>
    %dma_wait3A_68 = arith.constant 0 : i32
    %dma_wait3A_69 = tpu.memref_slice %arg11[%dma_wait3A_68] : memref<32xi32, #tpu.memory_space<vmem>> -> memref<16xi32, #tpu.memory_space<vmem>>
    tpu.wait_dma2 semaphore(%arg15 : memref<!tpu.dma_semaphore, #tpu.memory_space<semaphore_mem>>) src(%arg4 : memref<16xi32, #tpu.memory_space<hbm>>) dst(%dma_wait3A_69 : memref<16xi32, #tpu.memory_space<vmem>>)
    %dma_wait3A_70 = arith.constant 16 : i32
    %dma_wait3A_71 = tpu.memref_slice %arg11[%dma_wait3A_70] : memref<32xi32, #tpu.memory_space<vmem>> -> memref<16xi32, #tpu.memory_space<vmem>>
    %dma_wait3A_72 = arith.constant 16 : i32
    %dma_wait3A_73 = tpu.memref_slice %arg11[%dma_wait3A_72] : memref<32xi32, #tpu.memory_space<vmem>> -> memref<16xi32, #tpu.memory_space<vmem>>
    tpu.wait_dma2 semaphore(%arg15 : memref<!tpu.dma_semaphore, #tpu.memory_space<semaphore_mem>>) src(%arg5 : memref<16xi32, #tpu.memory_space<hbm>>) dst(%dma_wait3A_73 : memref<16xi32, #tpu.memory_space<vmem>>)
    %broadcast_in_dim3A = vector.broadcast %select_n3A : i32 to vector<16xi32>
    %gather3A = tpu.vector_load_idx %arg11[%broadcast_in_dim3A] : memref<32xi32, #tpu.memory_space<vmem>>[vector<16xi32>], vector<16xi32>,
    %add3A_74 = arith.constant 16 : i32
    %add3A_75 = vector.broadcast %add3A_74 : i32 to vector<16xi32>
    %add3A_76 = arith.addi %broadcast_in_dim3A, %add3A_75 : vector<16xi32>
    %gather3A_77 = tpu.vector_load_idx %arg11[%add3A_76] : memref<32xi32, #tpu.memory_space<vmem>>[vector<16xi32>], vector<16xi32>,
    %sub3A_78 = arith.constant 4094 : i32
    %sub3A_79 = vector.broadcast %sub3A_78 : i32 to vector<16xi32>
    %sub3A_80 = arith.subi %sub3A_79, %gather3A : vector<16xi32>
    %min3A = arith.minsi %gather3A_77, %sub3A_80 : vector<16xi32>
    %add3A_81 = arith.constant 2 : i32
    %add3A_82 = vector.broadcast %add3A_81 : i32 to vector<16xi32>
    %add3A_83 = arith.addi %gather3A, %add3A_82 : vector<16xi32>
    %add3A_84 = arith.constant 1 : i32
    %add3A_85 = vector.broadcast %add3A_84 : i32 to vector<16xi32>
    %add3A_86 = arith.addi %gather3A, %add3A_85 : vector<16xi32>
    %add3A_87 = arith.addi %add3A_83, %min3A : vector<16xi32>
    %iota3A = tpu.iota {dimensions = array<i32: 0>} : vector<16xi32>
    %parallel_loop3A = arith.constant 0 : i32
    %parallel_loop3A_88 = arith.constant 128 : i32
    %parallel_loop3A_89 = arith.constant 1 : i32
    scf.for %parallel_loop3A_217 = %parallel_loop3A to %parallel_loop3A_88 step %parallel_loop3A_89  : i32 {
      %parallel_loop3A_218 = arith.constant 16 : i32
      %parallel_loop3A_219 = arith.muli %parallel_loop3A_217, %parallel_loop3A_218 : i32
      %parallel_loop3A_220 = vector.broadcast %mul3A_33 : i32 to vector<16xi32>
      %parallel_loop3A_221 = arith.addi %iota3A, %parallel_loop3A_220 : vector<16xi32>
      %parallel_loop3A_222 = vector.broadcast %parallel_loop3A_219 : i32 to vector<16xi32>
      %parallel_loop3A_223 = arith.addi %parallel_loop3A_221, %parallel_loop3A_222 : vector<16xi32>
      %parallel_loop3A_224 = arith.cmpi slt, %parallel_loop3A_223, %add3A_87 : vector<16xi32>
      %parallel_loop3A_225 = arith.constant 1.000000e+00 : f32
      %parallel_loop3A_226 = arith.constant 0.000000e+00 : f32
      %parallel_loop3A_227 = vector.broadcast %parallel_loop3A_225 : f32 to vector<16xf32>
      %parallel_loop3A_228 = vector.broadcast %parallel_loop3A_226 : f32 to vector<16xf32>
      %parallel_loop3A_229 = arith.select %parallel_loop3A_224, %parallel_loop3A_227, %parallel_loop3A_228 : vector<16xi1>, vector<16xf32>
      %parallel_loop3A_230 = arith.index_cast %parallel_loop3A_219 : i32 to index
      %parallel_loop3A_231 = tpu.vector_load %arg13[%parallel_loop3A_230] {strides = array<i32>} : memref<2048xf32, #tpu.memory_space<vmem>>, vector<16xf32>,
      tpu.vector_store %arg13[%parallel_loop3A_230], %parallel_loop3A_229 {strides = array<i32>} : memref<2048xf32, #tpu.memory_space<vmem>>, vector<16xf32>,
      %parallel_loop3A_232 = arith.cmpi sle, %parallel_loop3A_223, %gather3A : vector<16xi32>
      %parallel_loop3A_233 = arith.subi %parallel_loop3A_223, %add3A_86 : vector<16xi32>
      %parallel_loop3A_234 = arith.constant 0 : i32
      %parallel_loop3A_235 = vector.broadcast %parallel_loop3A_234 : i32 to vector<16xi32>
      %parallel_loop3A_236 = arith.select %parallel_loop3A_224, %parallel_loop3A_233, %parallel_loop3A_235 : vector<16xi1>, vector<16xi32>
      %parallel_loop3A_237 = arith.select %parallel_loop3A_232, %parallel_loop3A_223, %parallel_loop3A_236 : vector<16xi1>, vector<16xi32>
      %parallel_loop3A_238 = arith.index_cast %parallel_loop3A_219 : i32 to index
      %parallel_loop3A_239 = tpu.vector_load %arg14[%parallel_loop3A_238] {strides = array<i32>} : memref<2048xi32, #tpu.memory_space<vmem>>, vector<16xi32>,
      tpu.vector_store %arg14[%parallel_loop3A_238], %parallel_loop3A_237 {strides = array<i32>} : memref<2048xi32, #tpu.memory_space<vmem>>, vector<16xi32>,
    } {sc.loop_unroll_factor = 8 : i64, sc.parallel_access}
    %dma_start3A_90 = arith.constant 0 : i32
    %dma_start3A_91 = tpu.memref_slice %arg7[%add3A, %dma_start3A_90] : memref<32x2048xf32, #tpu.memory_space<hbm>> -> memref<1x2048xf32, #tpu.memory_space<hbm>>
    %dma_start3A_92 = tpu.memref_squeeze %dma_start3A_91 : memref<1x2048xf32, #tpu.memory_space<hbm>> -> memref<2048xf32, #tpu.memory_space<hbm>>
    %dma_start3A_93 = arith.constant 0 : i32
    %dma_start3A_94 = tpu.memref_slice %arg7[%add3A, %dma_start3A_93] : memref<32x2048xf32, #tpu.memory_space<hbm>> -> memref<1x2048xf32, #tpu.memory_space<hbm>>
    %dma_start3A_95 = tpu.memref_squeeze %dma_start3A_94 : memref<1x2048xf32, #tpu.memory_space<hbm>> -> memref<2048xf32, #tpu.memory_space<hbm>>
    tpu.enqueue_dma source(%arg13 : memref<2048xf32, #tpu.memory_space<vmem>>) target(%dma_start3A_95 : memref<2048xf32, #tpu.memory_space<hbm>>) target_semaphore(%arg16 : memref<!tpu.dma_semaphore, #tpu.memory_space<semaphore_mem>>)
    %dma_start3A_96 = arith.constant 0 : i32
    %dma_start3A_97 = tpu.memref_slice %arg8[%add3A, %dma_start3A_96] : memref<32x2048xi32, #tpu.memory_space<hbm>> -> memref<1x2048xi32, #tpu.memory_space<hbm>>
    %dma_start3A_98 = tpu.memref_squeeze %dma_start3A_97 : memref<1x2048xi32, #tpu.memory_space<hbm>> -> memref<2048xi32, #tpu.memory_space<hbm>>
    %dma_start3A_99 = arith.constant 0 : i32
    %dma_start3A_100 = tpu.memref_slice %arg8[%add3A, %dma_start3A_99] : memref<32x2048xi32, #tpu.memory_space<hbm>> -> memref<1x2048xi32, #tpu.memory_space<hbm>>
    %dma_start3A_101 = tpu.memref_squeeze %dma_start3A_100 : memref<1x2048xi32, #tpu.memory_space<hbm>> -> memref<2048xi32, #tpu.memory_space<hbm>>
    tpu.enqueue_dma source(%arg14 : memref<2048xi32, #tpu.memory_space<vmem>>) target(%dma_start3A_101 : memref<2048xi32, #tpu.memory_space<hbm>>) target_semaphore(%arg16 : memref<!tpu.dma_semaphore, #tpu.memory_space<semaphore_mem>>)
    %dma_wait3A_102 = arith.constant 0 : i32
    %dma_wait3A_103 = tpu.memref_slice %arg2[%select_n3A, %dma_wait3A_102] : memref<16x64xi32, #tpu.memory_space<hbm>> -> memref<1x64xi32, #tpu.memory_space<hbm>>
    %dma_wait3A_104 = tpu.memref_squeeze %dma_wait3A_103 : memref<1x64xi32, #tpu.memory_space<hbm>> -> memref<64xi32, #tpu.memory_space<hbm>>
    %dma_wait3A_105 = arith.constant 0 : i32
    %dma_wait3A_106 = tpu.memref_slice %arg2[%select_n3A, %dma_wait3A_105] : memref<16x64xi32, #tpu.memory_space<hbm>> -> memref<1x64xi32, #tpu.memory_space<hbm>>
    %dma_wait3A_107 = tpu.memref_squeeze %dma_wait3A_106 : memref<1x64xi32, #tpu.memory_space<hbm>> -> memref<64xi32, #tpu.memory_space<hbm>>
    tpu.wait_dma2 semaphore(%arg15 : memref<!tpu.dma_semaphore, #tpu.memory_space<semaphore_mem>>) src(%dma_wait3A_107 : memref<64xi32, #tpu.memory_space<hbm>>) dst(%arg9 : memref<64xi32, #tpu.memory_space<vmem>>)
    %dma_wait3A_108 = arith.constant 0 : i32
    %dma_wait3A_109 = tpu.memref_slice %arg10[%dma_wait3A_108] : memref<4096xi32, #tpu.memory_space<vmem>> -> memref<128xi32, #tpu.memory_space<vmem>>
    %dma_wait3A_110 = arith.constant 0 : i32
    %dma_wait3A_111 = tpu.memref_slice %arg3[%select_n3A, %dma_wait3A_110] : memref<16x4096xi32, #tpu.memory_space<hbm>> -> memref<1x128xi32, #tpu.memory_space<hbm>>
    %dma_wait3A_112 = tpu.memref_squeeze %dma_wait3A_111 : memref<1x128xi32, #tpu.memory_space<hbm>> -> memref<128xi32, #tpu.memory_space<hbm>>
    %dma_wait3A_113 = arith.constant 0 : i32
    %dma_wait3A_114 = tpu.memref_slice %arg10[%dma_wait3A_113] : memref<4096xi32, #tpu.memory_space<vmem>> -> memref<128xi32, #tpu.memory_space<vmem>>
    %dma_wait3A_115 = arith.constant 0 : i32
    %dma_wait3A_116 = tpu.memref_slice %arg3[%select_n3A, %dma_wait3A_115] : memref<16x4096xi32, #tpu.memory_space<hbm>> -> memref<1x128xi32, #tpu.memory_space<hbm>>
    %dma_wait3A_117 = tpu.memref_squeeze %dma_wait3A_116 : memref<1x128xi32, #tpu.memory_space<hbm>> -> memref<128xi32, #tpu.memory_space<hbm>>
    tpu.wait_dma2 semaphore(%arg15 : memref<!tpu.dma_semaphore, #tpu.memory_space<semaphore_mem>>) src(%dma_wait3A_117 : memref<128xi32, #tpu.memory_space<hbm>>) dst(%dma_wait3A_114 : memref<128xi32, #tpu.memory_space<vmem>>)
    %eq3A_118 = arith.constant 0 : i32
    %eq3A_119 = arith.cmpi eq, %select_n3A_31, %eq3A_118 : i32
    %convert_element_type3A_120 = arith.extui %eq3A_119 : i1 to i32
    %cond3A = arith.constant 0 : i32
    %cond3A_121 = arith.cmpi ne, %convert_element_type3A_120, %cond3A : i32
    scf.if %cond3A_121 {
      %add3A_217 = arith.constant 0 : i32
      %add3A_218 = vector.broadcast %add3A_217 : i32 to vector<16xi32>
      %add3A_219 = arith.addi %iota3A, %add3A_218 : vector<16xi32>
      %sub3A_220 = arith.constant 1 : i32
      %sub3A_221 = vector.broadcast %sub3A_220 : i32 to vector<16xi32>
      %sub3A_222 = arith.subi %add3A_219, %sub3A_221 : vector<16xi32>
      %jit3A_223 = arith.constant 0 : i32
      %jit3A_224 = arith.constant 63 : i32
      %max3A = vector.broadcast %jit3A_223 : i32 to vector<16xi32>
      %max3A_225 = arith.maxsi %max3A, %sub3A_222 : vector<16xi32>
      %min3A_226 = vector.broadcast %jit3A_224 : i32 to vector<16xi32>
      %min3A_227 = arith.minsi %min3A_226, %max3A_225 : vector<16xi32>
      %gather3A_228 = tpu.vector_load_idx %arg9[%min3A_227] : memref<64xi32, #tpu.memory_space<vmem>>[vector<16xi32>], vector<16xi32>,
      %sub3A_229 = arith.subi %add3A_219, %add3A_83 : vector<16xi32>
      %jit3A_230 = arith.constant 0 : i32
      %jit3A_231 = arith.constant 126 : i32
      %max3A_232 = vector.broadcast %jit3A_230 : i32 to vector<16xi32>
      %max3A_233 = arith.maxsi %max3A_232, %sub3A_229 : vector<16xi32>
      %min3A_234 = vector.broadcast %jit3A_231 : i32 to vector<16xi32>
      %min3A_235 = arith.minsi %min3A_234, %max3A_233 : vector<16xi32>
      %gather3A_236 = tpu.vector_load_idx %arg10[%min3A_235] : memref<4096xi32, #tpu.memory_space<vmem>>[vector<16xi32>], vector<16xi32>,
      %eq3A_237 = arith.constant 0 : i32
      %eq3A_238 = vector.broadcast %eq3A_237 : i32 to vector<16xi32>
      %eq3A_239 = arith.cmpi eq, %add3A_219, %eq3A_238 : vector<16xi32>
      %le3A = arith.cmpi sle, %add3A_219, %gather3A : vector<16xi32>
      %eq3A_240 = arith.cmpi eq, %add3A_219, %add3A_86 : vector<16xi32>
      %lt3A_241 = arith.cmpi slt, %add3A_219, %add3A_87 : vector<16xi32>
      %jit3A_242 = arith.constant 0 : i32
      %broadcast_in_dim3A_243 = vector.broadcast %jit3A_242 : i32 to vector<16xi32>
      %select_n3A_244 = arith.select %lt3A_241, %gather3A_236, %broadcast_in_dim3A_243 : vector<16xi1>, vector<16xi32>
      %jit3A_245 = arith.constant 102 : i32
      %broadcast_in_dim3A_246 = vector.broadcast %jit3A_245 : i32 to vector<16xi32>
      %select_n3A_247 = arith.select %eq3A_240, %broadcast_in_dim3A_246, %select_n3A_244 : vector<16xi1>, vector<16xi32>
      %select_n3A_248 = arith.select %le3A, %gather3A_228, %select_n3A_247 : vector<16xi1>, vector<16xi32>
      %jit3A_249 = arith.constant 101 : i32
      %broadcast_in_dim3A_250 = vector.broadcast %jit3A_249 : i32 to vector<16xi32>
      %select_n3A_251 = arith.select %eq3A_239, %broadcast_in_dim3A_250, %select_n3A_248 : vector<16xi1>, vector<16xi32>
      %swap3A = arith.constant 0 : index
      %swap3A_252 = tpu.vector_load %arg12[%swap3A] {strides = array<i32>} : memref<2048xi32, #tpu.memory_space<vmem>>, vector<16xi32>,
      tpu.vector_store %arg12[%swap3A], %select_n3A_251 {strides = array<i32>} : memref<2048xi32, #tpu.memory_space<vmem>>, vector<16xi32>,
      %add3A_253 = arith.constant 16 : i32
      %add3A_254 = vector.broadcast %add3A_253 : i32 to vector<16xi32>
      %add3A_255 = arith.addi %iota3A, %add3A_254 : vector<16xi32>
      %sub3A_256 = arith.constant 1 : i32
      %sub3A_257 = vector.broadcast %sub3A_256 : i32 to vector<16xi32>
      %sub3A_258 = arith.subi %add3A_255, %sub3A_257 : vector<16xi32>
      %jit3A_259 = arith.constant 0 : i32
      %jit3A_260 = arith.constant 63 : i32
      %max3A_261 = vector.broadcast %jit3A_259 : i32 to vector<16xi32>
      %max3A_262 = arith.maxsi %max3A_261, %sub3A_258 : vector<16xi32>
      %min3A_263 = vector.broadcast %jit3A_260 : i32 to vector<16xi32>
      %min3A_264 = arith.minsi %min3A_263, %max3A_262 : vector<16xi32>
      %gather3A_265 = tpu.vector_load_idx %arg9[%min3A_264] : memref<64xi32, #tpu.memory_space<vmem>>[vector<16xi32>], vector<16xi32>,
      %sub3A_266 = arith.subi %add3A_255, %add3A_83 : vector<16xi32>
      %jit3A_267 = arith.constant 0 : i32
      %jit3A_268 = arith.constant 126 : i32
      %max3A_269 = vector.broadcast %jit3A_267 : i32 to vector<16xi32>
      %max3A_270 = arith.maxsi %max3A_269, %sub3A_266 : vector<16xi32>
      %min3A_271 = vector.broadcast %jit3A_268 : i32 to vector<16xi32>
      %min3A_272 = arith.minsi %min3A_271, %max3A_270 : vector<16xi32>
      %gather3A_273 = tpu.vector_load_idx %arg10[%min3A_272] : memref<4096xi32, #tpu.memory_space<vmem>>[vector<16xi32>], vector<16xi32>,
      %eq3A_274 = arith.constant 0 : i32
      %eq3A_275 = vector.broadcast %eq3A_274 : i32 to vector<16xi32>
      %eq3A_276 = arith.cmpi eq, %add3A_255, %eq3A_275 : vector<16xi32>
      %le3A_277 = arith.cmpi sle, %add3A_255, %gather3A : vector<16xi32>
      %eq3A_278 = arith.cmpi eq, %add3A_255, %add3A_86 : vector<16xi32>
      %lt3A_279 = arith.cmpi slt, %add3A_255, %add3A_87 : vector<16xi32>
      %jit3A_280 = arith.constant 0 : i32
      %broadcast_in_dim3A_281 = vector.broadcast %jit3A_280 : i32 to vector<16xi32>
      %select_n3A_282 = arith.select %lt3A_279, %gather3A_273, %broadcast_in_dim3A_281 : vector<16xi1>, vector<16xi32>
      %jit3A_283 = arith.constant 102 : i32
      %broadcast_in_dim3A_284 = vector.broadcast %jit3A_283 : i32 to vector<16xi32>
      %select_n3A_285 = arith.select %eq3A_278, %broadcast_in_dim3A_284, %select_n3A_282 : vector<16xi1>, vector<16xi32>
      %select_n3A_286 = arith.select %le3A_277, %gather3A_265, %select_n3A_285 : vector<16xi1>, vector<16xi32>
      %jit3A_287 = arith.constant 101 : i32
      %broadcast_in_dim3A_288 = vector.broadcast %jit3A_287 : i32 to vector<16xi32>
      %select_n3A_289 = arith.select %eq3A_276, %broadcast_in_dim3A_288, %select_n3A_286 : vector<16xi1>, vector<16xi32>
      %swap3A_290 = arith.constant 16 : index
      %swap3A_291 = tpu.vector_load %arg12[%swap3A_290] {strides = array<i32>} : memref<2048xi32, #tpu.memory_space<vmem>>, vector<16xi32>,
      tpu.vector_store %arg12[%swap3A_290], %select_n3A_289 {strides = array<i32>} : memref<2048xi32, #tpu.memory_space<vmem>>, vector<16xi32>,
      %add3A_292 = arith.constant 32 : i32
      %add3A_293 = vector.broadcast %add3A_292 : i32 to vector<16xi32>
      %add3A_294 = arith.addi %iota3A, %add3A_293 : vector<16xi32>
      %sub3A_295 = arith.constant 1 : i32
      %sub3A_296 = vector.broadcast %sub3A_295 : i32 to vector<16xi32>
      %sub3A_297 = arith.subi %add3A_294, %sub3A_296 : vector<16xi32>
      %jit3A_298 = arith.constant 0 : i32
      %jit3A_299 = arith.constant 63 : i32
      %max3A_300 = vector.broadcast %jit3A_298 : i32 to vector<16xi32>
      %max3A_301 = arith.maxsi %max3A_300, %sub3A_297 : vector<16xi32>
      %min3A_302 = vector.broadcast %jit3A_299 : i32 to vector<16xi32>
      %min3A_303 = arith.minsi %min3A_302, %max3A_301 : vector<16xi32>
      %gather3A_304 = tpu.vector_load_idx %arg9[%min3A_303] : memref<64xi32, #tpu.memory_space<vmem>>[vector<16xi32>], vector<16xi32>,
      %sub3A_305 = arith.subi %add3A_294, %add3A_83 : vector<16xi32>
      %jit3A_306 = arith.constant 0 : i32
      %jit3A_307 = arith.constant 126 : i32
      %max3A_308 = vector.broadcast %jit3A_306 : i32 to vector<16xi32>
      %max3A_309 = arith.maxsi %max3A_308, %sub3A_305 : vector<16xi32>
      %min3A_310 = vector.broadcast %jit3A_307 : i32 to vector<16xi32>
      %min3A_311 = arith.minsi %min3A_310, %max3A_309 : vector<16xi32>
      %gather3A_312 = tpu.vector_load_idx %arg10[%min3A_311] : memref<4096xi32, #tpu.memory_space<vmem>>[vector<16xi32>], vector<16xi32>,
      %eq3A_313 = arith.constant 0 : i32
      %eq3A_314 = vector.broadcast %eq3A_313 : i32 to vector<16xi32>
      %eq3A_315 = arith.cmpi eq, %add3A_294, %eq3A_314 : vector<16xi32>
      %le3A_316 = arith.cmpi sle, %add3A_294, %gather3A : vector<16xi32>
      %eq3A_317 = arith.cmpi eq, %add3A_294, %add3A_86 : vector<16xi32>
      %lt3A_318 = arith.cmpi slt, %add3A_294, %add3A_87 : vector<16xi32>
      %jit3A_319 = arith.constant 0 : i32
      %broadcast_in_dim3A_320 = vector.broadcast %jit3A_319 : i32 to vector<16xi32>
      %select_n3A_321 = arith.select %lt3A_318, %gather3A_312, %broadcast_in_dim3A_320 : vector<16xi1>, vector<16xi32>
      %jit3A_322 = arith.constant 102 : i32
      %broadcast_in_dim3A_323 = vector.broadcast %jit3A_322 : i32 to vector<16xi32>
      %select_n3A_324 = arith.select %eq3A_317, %broadcast_in_dim3A_323, %select_n3A_321 : vector<16xi1>, vector<16xi32>
      %select_n3A_325 = arith.select %le3A_316, %gather3A_304, %select_n3A_324 : vector<16xi1>, vector<16xi32>
      %jit3A_326 = arith.constant 101 : i32
      %broadcast_in_dim3A_327 = vector.broadcast %jit3A_326 : i32 to vector<16xi32>
      %select_n3A_328 = arith.select %eq3A_315, %broadcast_in_dim3A_327, %select_n3A_325 : vector<16xi1>, vector<16xi32>
      %swap3A_329 = arith.constant 32 : index
      %swap3A_330 = tpu.vector_load %arg12[%swap3A_329] {strides = array<i32>} : memref<2048xi32, #tpu.memory_space<vmem>>, vector<16xi32>,
      tpu.vector_store %arg12[%swap3A_329], %select_n3A_328 {strides = array<i32>} : memref<2048xi32, #tpu.memory_space<vmem>>, vector<16xi32>,
      %add3A_331 = arith.constant 48 : i32
      %add3A_332 = vector.broadcast %add3A_331 : i32 to vector<16xi32>
      %add3A_333 = arith.addi %iota3A, %add3A_332 : vector<16xi32>
      %sub3A_334 = arith.constant 1 : i32
      %sub3A_335 = vector.broadcast %sub3A_334 : i32 to vector<16xi32>
      %sub3A_336 = arith.subi %add3A_333, %sub3A_335 : vector<16xi32>
      %jit3A_337 = arith.constant 0 : i32
      %jit3A_338 = arith.constant 63 : i32
      %max3A_339 = vector.broadcast %jit3A_337 : i32 to vector<16xi32>
      %max3A_340 = arith.maxsi %max3A_339, %sub3A_336 : vector<16xi32>
      %min3A_341 = vector.broadcast %jit3A_338 : i32 to vector<16xi32>
      %min3A_342 = arith.minsi %min3A_341, %max3A_340 : vector<16xi32>
      %gather3A_343 = tpu.vector_load_idx %arg9[%min3A_342] : memref<64xi32, #tpu.memory_space<vmem>>[vector<16xi32>], vector<16xi32>,
      %sub3A_344 = arith.subi %add3A_333, %add3A_83 : vector<16xi32>
      %jit3A_345 = arith.constant 0 : i32
      %jit3A_346 = arith.constant 126 : i32
      %max3A_347 = vector.broadcast %jit3A_345 : i32 to vector<16xi32>
      %max3A_348 = arith.maxsi %max3A_347, %sub3A_344 : vector<16xi32>
      %min3A_349 = vector.broadcast %jit3A_346 : i32 to vector<16xi32>
      %min3A_350 = arith.minsi %min3A_349, %max3A_348 : vector<16xi32>
      %gather3A_351 = tpu.vector_load_idx %arg10[%min3A_350] : memref<4096xi32, #tpu.memory_space<vmem>>[vector<16xi32>], vector<16xi32>,
      %eq3A_352 = arith.constant 0 : i32
      %eq3A_353 = vector.broadcast %eq3A_352 : i32 to vector<16xi32>
      %eq3A_354 = arith.cmpi eq, %add3A_333, %eq3A_353 : vector<16xi32>
      %le3A_355 = arith.cmpi sle, %add3A_333, %gather3A : vector<16xi32>
      %eq3A_356 = arith.cmpi eq, %add3A_333, %add3A_86 : vector<16xi32>
      %lt3A_357 = arith.cmpi slt, %add3A_333, %add3A_87 : vector<16xi32>
      %jit3A_358 = arith.constant 0 : i32
      %broadcast_in_dim3A_359 = vector.broadcast %jit3A_358 : i32 to vector<16xi32>
      %select_n3A_360 = arith.select %lt3A_357, %gather3A_351, %broadcast_in_dim3A_359 : vector<16xi1>, vector<16xi32>
      %jit3A_361 = arith.constant 102 : i32
      %broadcast_in_dim3A_362 = vector.broadcast %jit3A_361 : i32 to vector<16xi32>
      %select_n3A_363 = arith.select %eq3A_356, %broadcast_in_dim3A_362, %select_n3A_360 : vector<16xi1>, vector<16xi32>
      %select_n3A_364 = arith.select %le3A_355, %gather3A_343, %select_n3A_363 : vector<16xi1>, vector<16xi32>
      %jit3A_365 = arith.constant 101 : i32
      %broadcast_in_dim3A_366 = vector.broadcast %jit3A_365 : i32 to vector<16xi32>
      %select_n3A_367 = arith.select %eq3A_354, %broadcast_in_dim3A_366, %select_n3A_364 : vector<16xi1>, vector<16xi32>
      %swap3A_368 = arith.constant 48 : index
      %swap3A_369 = tpu.vector_load %arg12[%swap3A_368] {strides = array<i32>} : memref<2048xi32, #tpu.memory_space<vmem>>, vector<16xi32>,
      tpu.vector_store %arg12[%swap3A_368], %select_n3A_367 {strides = array<i32>} : memref<2048xi32, #tpu.memory_space<vmem>>, vector<16xi32>,
      %add3A_370 = arith.constant 64 : i32
      %add3A_371 = vector.broadcast %add3A_370 : i32 to vector<16xi32>
      %add3A_372 = arith.addi %iota3A, %add3A_371 : vector<16xi32>
      %sub3A_373 = arith.constant 1 : i32
      %sub3A_374 = vector.broadcast %sub3A_373 : i32 to vector<16xi32>
      %sub3A_375 = arith.subi %add3A_372, %sub3A_374 : vector<16xi32>
      %jit3A_376 = arith.constant 0 : i32
      %jit3A_377 = arith.constant 63 : i32
      %max3A_378 = vector.broadcast %jit3A_376 : i32 to vector<16xi32>
      %max3A_379 = arith.maxsi %max3A_378, %sub3A_375 : vector<16xi32>
      %min3A_380 = vector.broadcast %jit3A_377 : i32 to vector<16xi32>
      %min3A_381 = arith.minsi %min3A_380, %max3A_379 : vector<16xi32>
      %gather3A_382 = tpu.vector_load_idx %arg9[%min3A_381] : memref<64xi32, #tpu.memory_space<vmem>>[vector<16xi32>], vector<16xi32>,
      %sub3A_383 = arith.subi %add3A_372, %add3A_83 : vector<16xi32>
      %jit3A_384 = arith.constant 0 : i32
      %jit3A_385 = arith.constant 126 : i32
      %max3A_386 = vector.broadcast %jit3A_384 : i32 to vector<16xi32>
      %max3A_387 = arith.maxsi %max3A_386, %sub3A_383 : vector<16xi32>
      %min3A_388 = vector.broadcast %jit3A_385 : i32 to vector<16xi32>
      %min3A_389 = arith.minsi %min3A_388, %max3A_387 : vector<16xi32>
      %gather3A_390 = tpu.vector_load_idx %arg10[%min3A_389] : memref<4096xi32, #tpu.memory_space<vmem>>[vector<16xi32>], vector<16xi32>,
      %eq3A_391 = arith.constant 0 : i32
      %eq3A_392 = vector.broadcast %eq3A_391 : i32 to vector<16xi32>
      %eq3A_393 = arith.cmpi eq, %add3A_372, %eq3A_392 : vector<16xi32>
      %le3A_394 = arith.cmpi sle, %add3A_372, %gather3A : vector<16xi32>
      %eq3A_395 = arith.cmpi eq, %add3A_372, %add3A_86 : vector<16xi32>
      %lt3A_396 = arith.cmpi slt, %add3A_372, %add3A_87 : vector<16xi32>
      %jit3A_397 = arith.constant 0 : i32
      %broadcast_in_dim3A_398 = vector.broadcast %jit3A_397 : i32 to vector<16xi32>
      %select_n3A_399 = arith.select %lt3A_396, %gather3A_390, %broadcast_in_dim3A_398 : vector<16xi1>, vector<16xi32>
      %jit3A_400 = arith.constant 102 : i32
      %broadcast_in_dim3A_401 = vector.broadcast %jit3A_400 : i32 to vector<16xi32>
      %select_n3A_402 = arith.select %eq3A_395, %broadcast_in_dim3A_401, %select_n3A_399 : vector<16xi1>, vector<16xi32>
      %select_n3A_403 = arith.select %le3A_394, %gather3A_382, %select_n3A_402 : vector<16xi1>, vector<16xi32>
      %jit3A_404 = arith.constant 101 : i32
      %broadcast_in_dim3A_405 = vector.broadcast %jit3A_404 : i32 to vector<16xi32>
      %select_n3A_406 = arith.select %eq3A_393, %broadcast_in_dim3A_405, %select_n3A_403 : vector<16xi1>, vector<16xi32>
      %swap3A_407 = arith.constant 64 : index
      %swap3A_408 = tpu.vector_load %arg12[%swap3A_407] {strides = array<i32>} : memref<2048xi32, #tpu.memory_space<vmem>>, vector<16xi32>,
      tpu.vector_store %arg12[%swap3A_407], %select_n3A_406 {strides = array<i32>} : memref<2048xi32, #tpu.memory_space<vmem>>, vector<16xi32>,
      %add3A_409 = arith.constant 80 : i32
      %add3A_410 = vector.broadcast %add3A_409 : i32 to vector<16xi32>
      %add3A_411 = arith.addi %iota3A, %add3A_410 : vector<16xi32>
      %sub3A_412 = arith.constant 1 : i32
      %sub3A_413 = vector.broadcast %sub3A_412 : i32 to vector<16xi32>
      %sub3A_414 = arith.subi %add3A_411, %sub3A_413 : vector<16xi32>
      %jit3A_415 = arith.constant 0 : i32
      %jit3A_416 = arith.constant 63 : i32
      %max3A_417 = vector.broadcast %jit3A_415 : i32 to vector<16xi32>
      %max3A_418 = arith.maxsi %max3A_417, %sub3A_414 : vector<16xi32>
      %min3A_419 = vector.broadcast %jit3A_416 : i32 to vector<16xi32>
      %min3A_420 = arith.minsi %min3A_419, %max3A_418 : vector<16xi32>
      %gather3A_421 = tpu.vector_load_idx %arg9[%min3A_420] : memref<64xi32, #tpu.memory_space<vmem>>[vector<16xi32>], vector<16xi32>,
      %sub3A_422 = arith.subi %add3A_411, %add3A_83 : vector<16xi32>
      %jit3A_423 = arith.constant 0 : i32
      %jit3A_424 = arith.constant 126 : i32
      %max3A_425 = vector.broadcast %jit3A_423 : i32 to vector<16xi32>
      %max3A_426 = arith.maxsi %max3A_425, %sub3A_422 : vector<16xi32>
      %min3A_427 = vector.broadcast %jit3A_424 : i32 to vector<16xi32>
      %min3A_428 = arith.minsi %min3A_427, %max3A_426 : vector<16xi32>
      %gather3A_429 = tpu.vector_load_idx %arg10[%min3A_428] : memref<4096xi32, #tpu.memory_space<vmem>>[vector<16xi32>], vector<16xi32>,
      %eq3A_430 = arith.constant 0 : i32
      %eq3A_431 = vector.broadcast %eq3A_430 : i32 to vector<16xi32>
      %eq3A_432 = arith.cmpi eq, %add3A_411, %eq3A_431 : vector<16xi32>
      %le3A_433 = arith.cmpi sle, %add3A_411, %gather3A : vector<16xi32>
      %eq3A_434 = arith.cmpi eq, %add3A_411, %add3A_86 : vector<16xi32>
      %lt3A_435 = arith.cmpi slt, %add3A_411, %add3A_87 : vector<16xi32>
      %jit3A_436 = arith.constant 0 : i32
      %broadcast_in_dim3A_437 = vector.broadcast %jit3A_436 : i32 to vector<16xi32>
      %select_n3A_438 = arith.select %lt3A_435, %gather3A_429, %broadcast_in_dim3A_437 : vector<16xi1>, vector<16xi32>
      %jit3A_439 = arith.constant 102 : i32
      %broadcast_in_dim3A_440 = vector.broadcast %jit3A_439 : i32 to vector<16xi32>
      %select_n3A_441 = arith.select %eq3A_434, %broadcast_in_dim3A_440, %select_n3A_438 : vector<16xi1>, vector<16xi32>
      %select_n3A_442 = arith.select %le3A_433, %gather3A_421, %select_n3A_441 : vector<16xi1>, vector<16xi32>
      %jit3A_443 = arith.constant 101 : i32
      %broadcast_in_dim3A_444 = vector.broadcast %jit3A_443 : i32 to vector<16xi32>
      %select_n3A_445 = arith.select %eq3A_432, %broadcast_in_dim3A_444, %select_n3A_442 : vector<16xi1>, vector<16xi32>
      %swap3A_446 = arith.constant 80 : index
      %swap3A_447 = tpu.vector_load %arg12[%swap3A_446] {strides = array<i32>} : memref<2048xi32, #tpu.memory_space<vmem>>, vector<16xi32>,
      tpu.vector_store %arg12[%swap3A_446], %select_n3A_445 {strides = array<i32>} : memref<2048xi32, #tpu.memory_space<vmem>>, vector<16xi32>,
      %add3A_448 = arith.constant 96 : i32
      %add3A_449 = vector.broadcast %add3A_448 : i32 to vector<16xi32>
      %add3A_450 = arith.addi %iota3A, %add3A_449 : vector<16xi32>
      %sub3A_451 = arith.constant 1 : i32
      %sub3A_452 = vector.broadcast %sub3A_451 : i32 to vector<16xi32>
      %sub3A_453 = arith.subi %add3A_450, %sub3A_452 : vector<16xi32>
      %jit3A_454 = arith.constant 0 : i32
      %jit3A_455 = arith.constant 63 : i32
      %max3A_456 = vector.broadcast %jit3A_454 : i32 to vector<16xi32>
      %max3A_457 = arith.maxsi %max3A_456, %sub3A_453 : vector<16xi32>
      %min3A_458 = vector.broadcast %jit3A_455 : i32 to vector<16xi32>
      %min3A_459 = arith.minsi %min3A_458, %max3A_457 : vector<16xi32>
      %gather3A_460 = tpu.vector_load_idx %arg9[%min3A_459] : memref<64xi32, #tpu.memory_space<vmem>>[vector<16xi32>], vector<16xi32>,
      %sub3A_461 = arith.subi %add3A_450, %add3A_83 : vector<16xi32>
      %jit3A_462 = arith.constant 0 : i32
      %jit3A_463 = arith.constant 126 : i32
      %max3A_464 = vector.broadcast %jit3A_462 : i32 to vector<16xi32>
      %max3A_465 = arith.maxsi %max3A_464, %sub3A_461 : vector<16xi32>
      %min3A_466 = vector.broadcast %jit3A_463 : i32 to vector<16xi32>
      %min3A_467 = arith.minsi %min3A_466, %max3A_465 : vector<16xi32>
      %gather3A_468 = tpu.vector_load_idx %arg10[%min3A_467] : memref<4096xi32, #tpu.memory_space<vmem>>[vector<16xi32>], vector<16xi32>,
      %eq3A_469 = arith.constant 0 : i32
      %eq3A_470 = vector.broadcast %eq3A_469 : i32 to vector<16xi32>
      %eq3A_471 = arith.cmpi eq, %add3A_450, %eq3A_470 : vector<16xi32>
      %le3A_472 = arith.cmpi sle, %add3A_450, %gather3A : vector<16xi32>
      %eq3A_473 = arith.cmpi eq, %add3A_450, %add3A_86 : vector<16xi32>
      %lt3A_474 = arith.cmpi slt, %add3A_450, %add3A_87 : vector<16xi32>
      %jit3A_475 = arith.constant 0 : i32
      %broadcast_in_dim3A_476 = vector.broadcast %jit3A_475 : i32 to vector<16xi32>
      %select_n3A_477 = arith.select %lt3A_474, %gather3A_468, %broadcast_in_dim3A_476 : vector<16xi1>, vector<16xi32>
      %jit3A_478 = arith.constant 102 : i32
      %broadcast_in_dim3A_479 = vector.broadcast %jit3A_478 : i32 to vector<16xi32>
      %select_n3A_480 = arith.select %eq3A_473, %broadcast_in_dim3A_479, %select_n3A_477 : vector<16xi1>, vector<16xi32>
      %select_n3A_481 = arith.select %le3A_472, %gather3A_460, %select_n3A_480 : vector<16xi1>, vector<16xi32>
      %jit3A_482 = arith.constant 101 : i32
      %broadcast_in_dim3A_483 = vector.broadcast %jit3A_482 : i32 to vector<16xi32>
      %select_n3A_484 = arith.select %eq3A_471, %broadcast_in_dim3A_483, %select_n3A_481 : vector<16xi1>, vector<16xi32>
      %swap3A_485 = arith.constant 96 : index
      %swap3A_486 = tpu.vector_load %arg12[%swap3A_485] {strides = array<i32>} : memref<2048xi32, #tpu.memory_space<vmem>>, vector<16xi32>,
      tpu.vector_store %arg12[%swap3A_485], %select_n3A_484 {strides = array<i32>} : memref<2048xi32, #tpu.memory_space<vmem>>, vector<16xi32>,
      %add3A_487 = arith.constant 112 : i32
      %add3A_488 = vector.broadcast %add3A_487 : i32 to vector<16xi32>
      %add3A_489 = arith.addi %iota3A, %add3A_488 : vector<16xi32>
      %sub3A_490 = arith.constant 1 : i32
      %sub3A_491 = vector.broadcast %sub3A_490 : i32 to vector<16xi32>
      %sub3A_492 = arith.subi %add3A_489, %sub3A_491 : vector<16xi32>
      %jit3A_493 = arith.constant 0 : i32
      %jit3A_494 = arith.constant 63 : i32
      %max3A_495 = vector.broadcast %jit3A_493 : i32 to vector<16xi32>
      %max3A_496 = arith.maxsi %max3A_495, %sub3A_492 : vector<16xi32>
      %min3A_497 = vector.broadcast %jit3A_494 : i32 to vector<16xi32>
      %min3A_498 = arith.minsi %min3A_497, %max3A_496 : vector<16xi32>
      %gather3A_499 = tpu.vector_load_idx %arg9[%min3A_498] : memref<64xi32, #tpu.memory_space<vmem>>[vector<16xi32>], vector<16xi32>,
      %sub3A_500 = arith.subi %add3A_489, %add3A_83 : vector<16xi32>
      %jit3A_501 = arith.constant 0 : i32
      %jit3A_502 = arith.constant 126 : i32
      %max3A_503 = vector.broadcast %jit3A_501 : i32 to vector<16xi32>
      %max3A_504 = arith.maxsi %max3A_503, %sub3A_500 : vector<16xi32>
      %min3A_505 = vector.broadcast %jit3A_502 : i32 to vector<16xi32>
      %min3A_506 = arith.minsi %min3A_505, %max3A_504 : vector<16xi32>
      %gather3A_507 = tpu.vector_load_idx %arg10[%min3A_506] : memref<4096xi32, #tpu.memory_space<vmem>>[vector<16xi32>], vector<16xi32>,
      %eq3A_508 = arith.constant 0 : i32
      %eq3A_509 = vector.broadcast %eq3A_508 : i32 to vector<16xi32>
      %eq3A_510 = arith.cmpi eq, %add3A_489, %eq3A_509 : vector<16xi32>
      %le3A_511 = arith.cmpi sle, %add3A_489, %gather3A : vector<16xi32>
      %eq3A_512 = arith.cmpi eq, %add3A_489, %add3A_86 : vector<16xi32>
      %lt3A_513 = arith.cmpi slt, %add3A_489, %add3A_87 : vector<16xi32>
      %jit3A_514 = arith.constant 0 : i32
      %broadcast_in_dim3A_515 = vector.broadcast %jit3A_514 : i32 to vector<16xi32>
      %select_n3A_516 = arith.select %lt3A_513, %gather3A_507, %broadcast_in_dim3A_515 : vector<16xi1>, vector<16xi32>
      %jit3A_517 = arith.constant 102 : i32
      %broadcast_in_dim3A_518 = vector.broadcast %jit3A_517 : i32 to vector<16xi32>
      %select_n3A_519 = arith.select %eq3A_512, %broadcast_in_dim3A_518, %select_n3A_516 : vector<16xi1>, vector<16xi32>
      %select_n3A_520 = arith.select %le3A_511, %gather3A_499, %select_n3A_519 : vector<16xi1>, vector<16xi32>
      %jit3A_521 = arith.constant 101 : i32
      %broadcast_in_dim3A_522 = vector.broadcast %jit3A_521 : i32 to vector<16xi32>
      %select_n3A_523 = arith.select %eq3A_510, %broadcast_in_dim3A_522, %select_n3A_520 : vector<16xi1>, vector<16xi32>
      %swap3A_524 = arith.constant 112 : index
      %swap3A_525 = tpu.vector_load %arg12[%swap3A_524] {strides = array<i32>} : memref<2048xi32, #tpu.memory_space<vmem>>, vector<16xi32>,
      tpu.vector_store %arg12[%swap3A_524], %select_n3A_523 {strides = array<i32>} : memref<2048xi32, #tpu.memory_space<vmem>>, vector<16xi32>,
    } else {
    }
    %dma_wait3A_122 = arith.constant 128 : i32
    %dma_wait3A_123 = tpu.memref_slice %arg10[%dma_wait3A_122] : memref<4096xi32, #tpu.memory_space<vmem>> -> memref<3968xi32, #tpu.memory_space<vmem>>
    %dma_wait3A_124 = arith.constant 128 : i32
    %dma_wait3A_125 = tpu.memref_slice %arg3[%select_n3A, %dma_wait3A_124] : memref<16x4096xi32, #tpu.memory_space<hbm>> -> memref<1x3968xi32, #tpu.memory_space<hbm>>
    %dma_wait3A_126 = tpu.memref_squeeze %dma_wait3A_125 : memref<1x3968xi32, #tpu.memory_space<hbm>> -> memref<3968xi32, #tpu.memory_space<hbm>>
    %dma_wait3A_127 = arith.constant 128 : i32
    %dma_wait3A_128 = tpu.memref_slice %arg10[%dma_wait3A_127] : memref<4096xi32, #tpu.memory_space<vmem>> -> memref<3968xi32, #tpu.memory_space<vmem>>
    %dma_wait3A_129 = arith.constant 128 : i32
    %dma_wait3A_130 = tpu.memref_slice %arg3[%select_n3A, %dma_wait3A_129] : memref<16x4096xi32, #tpu.memory_space<hbm>> -> memref<1x3968xi32, #tpu.memory_space<hbm>>
    %dma_wait3A_131 = tpu.memref_squeeze %dma_wait3A_130 : memref<1x3968xi32, #tpu.memory_space<hbm>> -> memref<3968xi32, #tpu.memory_space<hbm>>
    tpu.wait_dma2 semaphore(%arg15 : memref<!tpu.dma_semaphore, #tpu.memory_space<semaphore_mem>>) src(%dma_wait3A_131 : memref<3968xi32, #tpu.memory_space<hbm>>) dst(%dma_wait3A_128 : memref<3968xi32, #tpu.memory_space<vmem>>)
    %eq3A_132 = arith.constant 0 : i32
    %eq3A_133 = arith.cmpi eq, %select_n3A_31, %eq3A_132 : i32
    %jit3A_134 = arith.constant 8 : i32
    %jit3A_135 = arith.constant 0 : i32
    %select_n3A_136 = arith.select %eq3A_133, %jit3A_134, %jit3A_135 : i32
    %parallel_loop3A_137 = arith.constant 64 : i32
    %parallel_loop3A_138 = arith.constant 1 : i32
    scf.for %parallel_loop3A_217 = %select_n3A_136 to %parallel_loop3A_137 step %parallel_loop3A_138  : i32 {
      %parallel_loop3A_218 = arith.constant 16 : i32
      %parallel_loop3A_219 = arith.muli %parallel_loop3A_217, %parallel_loop3A_218 : i32
      %parallel_loop3A_220 = vector.broadcast %mul3A_33 : i32 to vector<16xi32>
      %parallel_loop3A_221 = arith.addi %iota3A, %parallel_loop3A_220 : vector<16xi32>
      %parallel_loop3A_222 = vector.broadcast %parallel_loop3A_219 : i32 to vector<16xi32>
      %parallel_loop3A_223 = arith.addi %parallel_loop3A_221, %parallel_loop3A_222 : vector<16xi32>
      %parallel_loop3A_224 = arith.subi %parallel_loop3A_223, %add3A_83 : vector<16xi32>
      %parallel_loop3A_225 = tpu.vector_load_idx %arg10[%parallel_loop3A_224] : memref<4096xi32, #tpu.memory_space<vmem>>[vector<16xi32>], vector<16xi32>,
      %parallel_loop3A_226 = arith.cmpi slt, %parallel_loop3A_223, %add3A_87 : vector<16xi32>
      %parallel_loop3A_227 = arith.constant 0 : i32
      %parallel_loop3A_228 = vector.broadcast %parallel_loop3A_227 : i32 to vector<16xi32>
      %parallel_loop3A_229 = arith.select %parallel_loop3A_226, %parallel_loop3A_225, %parallel_loop3A_228 : vector<16xi1>, vector<16xi32>
      %parallel_loop3A_230 = arith.index_cast %parallel_loop3A_219 : i32 to index
      %parallel_loop3A_231 = tpu.vector_load %arg12[%parallel_loop3A_230] {strides = array<i32>} : memref<2048xi32, #tpu.memory_space<vmem>>, vector<16xi32>,
      tpu.vector_store %arg12[%parallel_loop3A_230], %parallel_loop3A_229 {strides = array<i32>} : memref<2048xi32, #tpu.memory_space<vmem>>, vector<16xi32>,
    } {sc.loop_unroll_factor = 8 : i64, sc.parallel_access}
    %dma_start3A_139 = arith.constant 0 : i32
    %dma_start3A_140 = tpu.memref_slice %arg12[%dma_start3A_139] : memref<2048xi32, #tpu.memory_space<vmem>> -> memref<1024xi32, #tpu.memory_space<vmem>>
    %dma_start3A_141 = arith.constant 0 : i32
    %dma_start3A_142 = tpu.memref_slice %arg6[%add3A, %dma_start3A_141] : memref<32x2048xi32, #tpu.memory_space<hbm>> -> memref<1x1024xi32, #tpu.memory_space<hbm>>
    %dma_start3A_143 = tpu.memref_squeeze %dma_start3A_142 : memref<1x1024xi32, #tpu.memory_space<hbm>> -> memref<1024xi32, #tpu.memory_space<hbm>>
    %dma_start3A_144 = arith.constant 0 : i32
    %dma_start3A_145 = tpu.memref_slice %arg6[%add3A, %dma_start3A_144] : memref<32x2048xi32, #tpu.memory_space<hbm>> -> memref<1x1024xi32, #tpu.memory_space<hbm>>
    %dma_start3A_146 = tpu.memref_squeeze %dma_start3A_145 : memref<1x1024xi32, #tpu.memory_space<hbm>> -> memref<1024xi32, #tpu.memory_space<hbm>>
    %dma_start3A_147 = arith.constant 0 : i32
    %dma_start3A_148 = tpu.memref_slice %arg12[%dma_start3A_147] : memref<2048xi32, #tpu.memory_space<vmem>> -> memref<1024xi32, #tpu.memory_space<vmem>>
    tpu.enqueue_dma source(%dma_start3A_148 : memref<1024xi32, #tpu.memory_space<vmem>>) target(%dma_start3A_146 : memref<1024xi32, #tpu.memory_space<hbm>>) target_semaphore(%arg16 : memref<!tpu.dma_semaphore, #tpu.memory_space<semaphore_mem>>)
    %parallel_loop3A_149 = arith.constant 64 : i32
    %parallel_loop3A_150 = arith.constant 96 : i32
    %parallel_loop3A_151 = arith.constant 1 : i32
    scf.for %parallel_loop3A_217 = %parallel_loop3A_149 to %parallel_loop3A_150 step %parallel_loop3A_151  : i32 {
      %parallel_loop3A_218 = arith.constant 16 : i32
      %parallel_loop3A_219 = arith.muli %parallel_loop3A_217, %parallel_loop3A_218 : i32
      %parallel_loop3A_220 = vector.broadcast %mul3A_33 : i32 to vector<16xi32>
      %parallel_loop3A_221 = arith.addi %iota3A, %parallel_loop3A_220 : vector<16xi32>
      %parallel_loop3A_222 = vector.broadcast %parallel_loop3A_219 : i32 to vector<16xi32>
      %parallel_loop3A_223 = arith.addi %parallel_loop3A_221, %parallel_loop3A_222 : vector<16xi32>
      %parallel_loop3A_224 = arith.subi %parallel_loop3A_223, %add3A_83 : vector<16xi32>
      %parallel_loop3A_225 = tpu.vector_load_idx %arg10[%parallel_loop3A_224] : memref<4096xi32, #tpu.memory_space<vmem>>[vector<16xi32>], vector<16xi32>,
      %parallel_loop3A_226 = arith.cmpi slt, %parallel_loop3A_223, %add3A_87 : vector<16xi32>
      %parallel_loop3A_227 = arith.constant 0 : i32
      %parallel_loop3A_228 = vector.broadcast %parallel_loop3A_227 : i32 to vector<16xi32>
      %parallel_loop3A_229 = arith.select %parallel_loop3A_226, %parallel_loop3A_225, %parallel_loop3A_228 : vector<16xi1>, vector<16xi32>
      %parallel_loop3A_230 = arith.index_cast %parallel_loop3A_219 : i32 to index
      %parallel_loop3A_231 = tpu.vector_load %arg12[%parallel_loop3A_230] {strides = array<i32>} : memref<2048xi32, #tpu.memory_space<vmem>>, vector<16xi32>,
      tpu.vector_store %arg12[%parallel_loop3A_230], %parallel_loop3A_229 {strides = array<i32>} : memref<2048xi32, #tpu.memory_space<vmem>>, vector<16xi32>,
    } {sc.loop_unroll_factor = 8 : i64, sc.parallel_access}
    %dma_start3A_152 = arith.constant 1024 : i32
    %dma_start3A_153 = tpu.memref_slice %arg12[%dma_start3A_152] : memref<2048xi32, #tpu.memory_space<vmem>> -> memref<512xi32, #tpu.memory_space<vmem>>
    %dma_start3A_154 = arith.constant 1024 : i32
    %dma_start3A_155 = tpu.memref_slice %arg6[%add3A, %dma_start3A_154] : memref<32x2048xi32, #tpu.memory_space<hbm>> -> memref<1x512xi32, #tpu.memory_space<hbm>>
    %dma_start3A_156 = tpu.memref_squeeze %dma_start3A_155 : memref<1x512xi32, #tpu.memory_space<hbm>> -> memref<512xi32, #tpu.memory_space<hbm>>
    %dma_start3A_157 = arith.constant 1024 : i32
    %dma_start3A_158 = tpu.memref_slice %arg6[%add3A, %dma_start3A_157] : memref<32x2048xi32, #tpu.memory_space<hbm>> -> memref<1x512xi32, #tpu.memory_space<hbm>>
    %dma_start3A_159 = tpu.memref_squeeze %dma_start3A_158 : memref<1x512xi32, #tpu.memory_space<hbm>> -> memref<512xi32, #tpu.memory_space<hbm>>
    %dma_start3A_160 = arith.constant 1024 : i32
    %dma_start3A_161 = tpu.memref_slice %arg12[%dma_start3A_160] : memref<2048xi32, #tpu.memory_space<vmem>> -> memref<512xi32, #tpu.memory_space<vmem>>
    tpu.enqueue_dma source(%dma_start3A_161 : memref<512xi32, #tpu.memory_space<vmem>>) target(%dma_start3A_159 : memref<512xi32, #tpu.memory_space<hbm>>) target_semaphore(%arg16 : memref<!tpu.dma_semaphore, #tpu.memory_space<semaphore_mem>>)
    %parallel_loop3A_162 = arith.constant 96 : i32
    %parallel_loop3A_163 = arith.constant 128 : i32
    %parallel_loop3A_164 = arith.constant 1 : i32
    scf.for %parallel_loop3A_217 = %parallel_loop3A_162 to %parallel_loop3A_163 step %parallel_loop3A_164  : i32 {
      %parallel_loop3A_218 = arith.constant 16 : i32
      %parallel_loop3A_219 = arith.muli %parallel_loop3A_217, %parallel_loop3A_218 : i32
      %parallel_loop3A_220 = vector.broadcast %mul3A_33 : i32 to vector<16xi32>
      %parallel_loop3A_221 = arith.addi %iota3A, %parallel_loop3A_220 : vector<16xi32>
      %parallel_loop3A_222 = vector.broadcast %parallel_loop3A_219 : i32 to vector<16xi32>
      %parallel_loop3A_223 = arith.addi %parallel_loop3A_221, %parallel_loop3A_222 : vector<16xi32>
      %parallel_loop3A_224 = arith.subi %parallel_loop3A_223, %add3A_83 : vector<16xi32>
      %parallel_loop3A_225 = tpu.vector_load_idx %arg10[%parallel_loop3A_224] : memref<4096xi32, #tpu.memory_space<vmem>>[vector<16xi32>], vector<16xi32>,
      %parallel_loop3A_226 = arith.cmpi slt, %parallel_loop3A_223, %add3A_87 : vector<16xi32>
      %parallel_loop3A_227 = arith.constant 0 : i32
      %parallel_loop3A_228 = vector.broadcast %parallel_loop3A_227 : i32 to vector<16xi32>
      %parallel_loop3A_229 = arith.select %parallel_loop3A_226, %parallel_loop3A_225, %parallel_loop3A_228 : vector<16xi1>, vector<16xi32>
      %parallel_loop3A_230 = arith.index_cast %parallel_loop3A_219 : i32 to index
      %parallel_loop3A_231 = tpu.vector_load %arg12[%parallel_loop3A_230] {strides = array<i32>} : memref<2048xi32, #tpu.memory_space<vmem>>, vector<16xi32>,
      tpu.vector_store %arg12[%parallel_loop3A_230], %parallel_loop3A_229 {strides = array<i32>} : memref<2048xi32, #tpu.memory_space<vmem>>, vector<16xi32>,
    } {sc.loop_unroll_factor = 8 : i64, sc.parallel_access}
    %dma_start3A_165 = arith.constant 1536 : i32
    %dma_start3A_166 = tpu.memref_slice %arg12[%dma_start3A_165] : memref<2048xi32, #tpu.memory_space<vmem>> -> memref<512xi32, #tpu.memory_space<vmem>>
    %dma_start3A_167 = arith.constant 1536 : i32
    %dma_start3A_168 = tpu.memref_slice %arg6[%add3A, %dma_start3A_167] : memref<32x2048xi32, #tpu.memory_space<hbm>> -> memref<1x512xi32, #tpu.memory_space<hbm>>
    %dma_start3A_169 = tpu.memref_squeeze %dma_start3A_168 : memref<1x512xi32, #tpu.memory_space<hbm>> -> memref<512xi32, #tpu.memory_space<hbm>>
    %dma_start3A_170 = arith.constant 1536 : i32
    %dma_start3A_171 = tpu.memref_slice %arg6[%add3A, %dma_start3A_170] : memref<32x2048xi32, #tpu.memory_space<hbm>> -> memref<1x512xi32, #tpu.memory_space<hbm>>
    %dma_start3A_172 = tpu.memref_squeeze %dma_start3A_171 : memref<1x512xi32, #tpu.memory_space<hbm>> -> memref<512xi32, #tpu.memory_space<hbm>>
    %dma_start3A_173 = arith.constant 1536 : i32
    %dma_start3A_174 = tpu.memref_slice %arg12[%dma_start3A_173] : memref<2048xi32, #tpu.memory_space<vmem>> -> memref<512xi32, #tpu.memory_space<vmem>>
    tpu.enqueue_dma source(%dma_start3A_174 : memref<512xi32, #tpu.memory_space<vmem>>) target(%dma_start3A_172 : memref<512xi32, #tpu.memory_space<hbm>>) target_semaphore(%arg16 : memref<!tpu.dma_semaphore, #tpu.memory_space<semaphore_mem>>)
    %dma_wait3A_175 = arith.constant 0 : i32
    %dma_wait3A_176 = tpu.memref_slice %arg7[%add3A, %dma_wait3A_175] : memref<32x2048xf32, #tpu.memory_space<hbm>> -> memref<1x2048xf32, #tpu.memory_space<hbm>>
    %dma_wait3A_177 = tpu.memref_squeeze %dma_wait3A_176 : memref<1x2048xf32, #tpu.memory_space<hbm>> -> memref<2048xf32, #tpu.memory_space<hbm>>
    %dma_wait3A_178 = arith.constant 0 : i32
    %dma_wait3A_179 = tpu.memref_slice %arg7[%add3A, %dma_wait3A_178] : memref<32x2048xf32, #tpu.memory_space<hbm>> -> memref<1x2048xf32, #tpu.memory_space<hbm>>
    %dma_wait3A_180 = tpu.memref_squeeze %dma_wait3A_179 : memref<1x2048xf32, #tpu.memory_space<hbm>> -> memref<2048xf32, #tpu.memory_space<hbm>>
    tpu.wait_dma2 semaphore(%arg16 : memref<!tpu.dma_semaphore, #tpu.memory_space<semaphore_mem>>) src(%arg13 : memref<2048xf32, #tpu.memory_space<vmem>>) dst(%dma_wait3A_180 : memref<2048xf32, #tpu.memory_space<hbm>>)
    %dma_wait3A_181 = arith.constant 0 : i32
    %dma_wait3A_182 = tpu.memref_slice %arg8[%add3A, %dma_wait3A_181] : memref<32x2048xi32, #tpu.memory_space<hbm>> -> memref<1x2048xi32, #tpu.memory_space<hbm>>
    %dma_wait3A_183 = tpu.memref_squeeze %dma_wait3A_182 : memref<1x2048xi32, #tpu.memory_space<hbm>> -> memref<2048xi32, #tpu.memory_space<hbm>>
    %dma_wait3A_184 = arith.constant 0 : i32
    %dma_wait3A_185 = tpu.memref_slice %arg8[%add3A, %dma_wait3A_184] : memref<32x2048xi32, #tpu.memory_space<hbm>> -> memref<1x2048xi32, #tpu.memory_space<hbm>>
    %dma_wait3A_186 = tpu.memref_squeeze %dma_wait3A_185 : memref<1x2048xi32, #tpu.memory_space<hbm>> -> memref<2048xi32, #tpu.memory_space<hbm>>
    tpu.wait_dma2 semaphore(%arg16 : memref<!tpu.dma_semaphore, #tpu.memory_space<semaphore_mem>>) src(%arg14 : memref<2048xi32, #tpu.memory_space<vmem>>) dst(%dma_wait3A_186 : memref<2048xi32, #tpu.memory_space<hbm>>)
    %dma_wait3A_187 = arith.constant 0 : i32
    %dma_wait3A_188 = tpu.memref_slice %arg12[%dma_wait3A_187] : memref<2048xi32, #tpu.memory_space<vmem>> -> memref<1024xi32, #tpu.memory_space<vmem>>
    %dma_wait3A_189 = arith.constant 0 : i32
    %dma_wait3A_190 = tpu.memref_slice %arg6[%add3A, %dma_wait3A_189] : memref<32x2048xi32, #tpu.memory_space<hbm>> -> memref<1x1024xi32, #tpu.memory_space<hbm>>
    %dma_wait3A_191 = tpu.memref_squeeze %dma_wait3A_190 : memref<1x1024xi32, #tpu.memory_space<hbm>> -> memref<1024xi32, #tpu.memory_space<hbm>>
    %dma_wait3A_192 = arith.constant 0 : i32
    %dma_wait3A_193 = tpu.memref_slice %arg6[%add3A, %dma_wait3A_192] : memref<32x2048xi32, #tpu.memory_space<hbm>> -> memref<1x1024xi32, #tpu.memory_space<hbm>>
    %dma_wait3A_194 = tpu.memref_squeeze %dma_wait3A_193 : memref<1x1024xi32, #tpu.memory_space<hbm>> -> memref<1024xi32, #tpu.memory_space<hbm>>
    %dma_wait3A_195 = arith.constant 0 : i32
    %dma_wait3A_196 = tpu.memref_slice %arg12[%dma_wait3A_195] : memref<2048xi32, #tpu.memory_space<vmem>> -> memref<1024xi32, #tpu.memory_space<vmem>>
    tpu.wait_dma2 semaphore(%arg16 : memref<!tpu.dma_semaphore, #tpu.memory_space<semaphore_mem>>) src(%dma_wait3A_196 : memref<1024xi32, #tpu.memory_space<vmem>>) dst(%dma_wait3A_194 : memref<1024xi32, #tpu.memory_space<hbm>>)
    %dma_wait3A_197 = arith.constant 1024 : i32
    %dma_wait3A_198 = tpu.memref_slice %arg12[%dma_wait3A_197] : memref<2048xi32, #tpu.memory_space<vmem>> -> memref<512xi32, #tpu.memory_space<vmem>>
    %dma_wait3A_199 = arith.constant 1024 : i32
    %dma_wait3A_200 = tpu.memref_slice %arg6[%add3A, %dma_wait3A_199] : memref<32x2048xi32, #tpu.memory_space<hbm>> -> memref<1x512xi32, #tpu.memory_space<hbm>>
    %dma_wait3A_201 = tpu.memref_squeeze %dma_wait3A_200 : memref<1x512xi32, #tpu.memory_space<hbm>> -> memref<512xi32, #tpu.memory_space<hbm>>
    %dma_wait3A_202 = arith.constant 1024 : i32
    %dma_wait3A_203 = tpu.memref_slice %arg6[%add3A, %dma_wait3A_202] : memref<32x2048xi32, #tpu.memory_space<hbm>> -> memref<1x512xi32, #tpu.memory_space<hbm>>
    %dma_wait3A_204 = tpu.memref_squeeze %dma_wait3A_203 : memref<1x512xi32, #tpu.memory_space<hbm>> -> memref<512xi32, #tpu.memory_space<hbm>>
    %dma_wait3A_205 = arith.constant 1024 : i32
    %dma_wait3A_206 = tpu.memref_slice %arg12[%dma_wait3A_205] : memref<2048xi32, #tpu.memory_space<vmem>> -> memref<512xi32, #tpu.memory_space<vmem>>
    tpu.wait_dma2 semaphore(%arg16 : memref<!tpu.dma_semaphore, #tpu.memory_space<semaphore_mem>>) src(%dma_wait3A_206 : memref<512xi32, #tpu.memory_space<vmem>>) dst(%dma_wait3A_204 : memref<512xi32, #tpu.memory_space<hbm>>)
    %dma_wait3A_207 = arith.constant 1536 : i32
    %dma_wait3A_208 = tpu.memref_slice %arg12[%dma_wait3A_207] : memref<2048xi32, #tpu.memory_space<vmem>> -> memref<512xi32, #tpu.memory_space<vmem>>
    %dma_wait3A_209 = arith.constant 1536 : i32
    %dma_wait3A_210 = tpu.memref_slice %arg6[%add3A, %dma_wait3A_209] : memref<32x2048xi32, #tpu.memory_space<hbm>> -> memref<1x512xi32, #tpu.memory_space<hbm>>
    %dma_wait3A_211 = tpu.memref_squeeze %dma_wait3A_210 : memref<1x512xi32, #tpu.memory_space<hbm>> -> memref<512xi32, #tpu.memory_space<hbm>>
    %dma_wait3A_212 = arith.constant 1536 : i32
    %dma_wait3A_213 = tpu.memref_slice %arg6[%add3A, %dma_wait3A_212] : memref<32x2048xi32, #tpu.memory_space<hbm>> -> memref<1x512xi32, #tpu.memory_space<hbm>>
    %dma_wait3A_214 = tpu.memref_squeeze %dma_wait3A_213 : memref<1x512xi32, #tpu.memory_space<hbm>> -> memref<512xi32, #tpu.memory_space<hbm>>
    %dma_wait3A_215 = arith.constant 1536 : i32
    %dma_wait3A_216 = tpu.memref_slice %arg12[%dma_wait3A_215] : memref<2048xi32, #tpu.memory_space<vmem>> -> memref<512xi32, #tpu.memory_space<vmem>>
    tpu.wait_dma2 semaphore(%arg16 : memref<!tpu.dma_semaphore, #tpu.memory_space<semaphore_mem>>) src(%dma_wait3A_216 : memref<512xi32, #tpu.memory_space<vmem>>) dst(%dma_wait3A_214 : memref<512xi32, #tpu.memory_space<hbm>>)
    return
  }
}

</mosaic_0001>

<sc_bundles>
// kernel: kernel.3.cloned.1.call-start
scs
__scs_entry_jumppad:
0x0: {  	(pc) =	sbr.rel $0x88, $3  }
0x1: {  	(tag) =	ssettag $0x0;
	lr =	simm.s32 $0x1  }
0x2: {  	[smem:$0x3F9D] =	sst lr;
	_ =	strace $0xD0000000  }
0x3: {  	_ = 	snop  }
0x4: {  	_ = 	snop  }
0x5: {  	_ = 	snop  }
0x6: {  	_ = 	snop  }
0x7: {  	_ = 	snop  }
__scs_overlays_trampoline_lowered:
0x8: {  	[smem:$0x3FAC] =	sst s0  }
0x9: {  	[smem:$0x3FAD] =	sst s1  }
0xa: {  	[smem:$0x3FAE] =	sst s2  }
0xb: {  	[smem:$0x3FAF] =	sst s3  }
0xc: {  	[smem:$0x3FB0] =	sst s4  }
0xd: {  	[smem:$0x3FB1] =	sst s5  }
0xe: {  	[smem:$0x3FB2] =	sst s6  }
0xf: {  	[smem:$0x3FB3] =	sst s7  }
0x10: {  	[smem:$0x3FB4] =	sst s8  }
0x11: {  	[smem:$0x3FB5] =	sst s9;
	s0 =	simm.s32 @!p0 $0x0  }
0x12: {  	s1 =	sld [smem:$0x3F9B];
	s0 =	simm.s32 @p0 $0x1  }
0x13: {  	[smem:$0x3FB6] =	sst s0;
	s0 =	simm.s32 @!p1 $0x0  }
0x14: {  	s2 =	sld [smem:$0x3F9A];
	s0 =	simm.s32 @p1 $0x1  }
0x15: {  	[smem:$0x3FB7] =	sst s0;
	s0 =	simm.s32 @!p2 $0x0  }
0x16: {  	s3 =	sld [smem:$0x3FDB];
	s0 =	simm.s32 @p2 $0x1  }
0x17: {  	s4 =	simm.s32 $0x1BF5;
	[smem:$0x3FB9] =	sst s0  }
0x18: {  	s0 =	sld [smem:$0x3F9C];
	_ =	swait.ge [sflag:s4], $0x0  }
0x19: {  	s7 =	sld [smem:$0x3F9D]  }
0x1a: {  	s8 =	sadd.s32 $0xFFFFE003, lr  }
0x1b: {  	s9 =	sadd.s32 $0xFFFFFEF7, lr;
	s5 =	simm.s32 $0xFFFFFFFF;
	p2 =	slt.u32 s8, $0xFFFFF086  }
0x1c: {  	p1 =	slt.u32 s9, $0xF7A;
	s5 =	simm.s32 @!p2 $0x0  }
0x1d: {  	s5 =	simm.s32 @p1 $0x1;
	p0 =	seq.s32 s7, s2  }
0x1e: {  	s7 =	smul.u32 @!p0 $0xF7A, s2;
	p2 =	seq.s32 @!p0 s5, $0x0  }
0x1f: {  	s9 =	smul.u32 $0xF7A, s1;
	s8 =	simm.s32 @!p0 $0x1BF5;
	p2 =	por !p2, p0  }
0x20: {  	[sflag:s8] =	ssyncset.s32 @!p0 $0xFFFFF086;
	s6 =	sadd.s32 @!p0 s3, s7;
	s7 =	simm.s32 @!p0 $0x108  }
0x21: {  	s3 =	sadd.s32 s3, s9;
	s6 =	sadd.s32 @!p0 $0x88, s6;
	s7 =	simm.s32 @p2 $0x1082  }
0x22: {  	[simem:s7], [sflag:s8] =	dma.local @!p0 [hbm:s6], $0xF7A  }
0x23: {  	s9 =	sor.u32 $0xD0000000, s2;
	s6 =	simm.s32 $0x108;
	_ =	swait.ge @!p0 [sflag:s8], $0x0  }
0x24: {  	s3 =	sadd.s32 $0x88, s3;
	s6 =	simm.s32 @!p1 $0x1082;
	[sflag:s4] =	ssyncset.s32 $0xFFFFF086  }
0x25: {  	[simem:s6], [sflag:s4] =	dma.local [hbm:s3], $0xF7A  }
0x26: {  	[smem:$0x3F9D] =	sst s1;
	(tag) =	ssettag s2;
	_ =	strace s9  }
0x27: {  	s1 =	sld [smem:$0x3FAD]  }
0x28: {  	s2 =	sld [smem:$0x3FAE]  }
0x29: {  	s4 =	sld [smem:$0x3FB0]  }
0x2a: {  	p0 =	seq.s32 s5, $0x0;
	s5 =	sld [smem:$0x3FB1]  }
0x2b: {  	s6 =	sld [smem:$0x3FB2]  }
0x2c: {  	s7 =	sld [smem:$0x3FB3]  }
0x2d: {  	s3 =	simm.s32 $0x108;
	s8 =	sld [smem:$0x3FB4]  }
0x2e: {  	s3 =	simm.s32 @!p0 $0x1082;
	s9 =	sld [smem:$0x3FB5]  }
0x2f: {  	lr =	sadd.s32 s0, s3;
	s0 =	sld [smem:$0x3FAC]  }
0x30: {  	s3 =	sld [smem:$0x3FAF]  }
0x31: {  	[smem:$0x3FB8] =	sst s10  }
0x32: {  	s10 =	sld [smem:$0x3FB6];
	_ =	sdelay $0x3  }
0x33: {  	p0 =	seq.s32 s10, $0x1;
	s10 =	sld [smem:$0x3FB8];
	_ =	sdelay $0x3  }
0x34: {  	[smem:$0x3FB8] =	sst s10  }
0x35: {  	s10 =	sld [smem:$0x3FB7];
	_ =	sdelay $0x3  }
0x36: {  	p1 =	seq.s32 s10, $0x1;
	s10 =	sld [smem:$0x3FB8];
	_ =	sdelay $0x3  }
0x37: {  	[smem:$0x3FB8] =	sst s10  }
0x38: {  	s10 =	sld [smem:$0x3FB9]  }
0x39: {  	_ = 	snop;
	(pc) =	sbr.ind lr, $3  }
0x3a: {  	_ = 	snop  }
0x3b: {  	_ = 	snop  }
0x3c: {  	p2 =	seq.s32 s10, $0x1;
	s10 =	sld [smem:$0x3FB8]  }
0x3d: {  	_ =	shalt  }
0x3e: {  	_ =	shalt  }
0x3f: {  	_ =	shalt  }
0x40: {  	_ =	shalt  }
0x41: {  	_ =	shalt  }
0x42: {  	_ =	shalt  }
0x43: {  	_ =	shalt  }
0x44: {  	_ =	shalt  }
0x45: {  	_ =	shalt  }
0x46: {  	_ =	shalt  }
0x47: {  	_ =	shalt  }
0x48: {  	_ =	shalt  }
0x49: {  	_ =	shalt  }
0x4a: {  	_ =	shalt  }
0x4b: {  	_ =	shalt  }
0x4c: {  	_ =	shalt  }
0x4d: {  	_ =	shalt  }
0x4e: {  	_ =	shalt  }
0x4f: {  	_ =	shalt  }
0x50: {  	_ =	shalt  }
0x51: {  	_ =	shalt  }
0x52: {  	_ =	shalt  }
0x53: {  	_ =	shalt  }
0x54: {  	_ =	shalt  }
0x55: {  	_ =	shalt  }
0x56: {  	_ =	shalt  }
0x57: {  	_ =	shalt  }
0x58: {  	_ =	shalt  }
0x59: {  	_ =	shalt  }
0x5a: {  	_ =	shalt  }
0x5b: {  	_ =	shalt  }
0x5c: {  	_ =	shalt  }
0x5d: {  	_ =	shalt  }
0x5e: {  	_ =	shalt  }
0x5f: {  	_ =	shalt  }
0x60: {  	_ =	shalt  }
0x61: {  	_ =	shalt  }
0x62: {  	_ =	shalt  }
0x63: {  	_ =	shalt  }
0x64: {  	_ =	shalt  }
0x65: {  	_ =	shalt  }
0x66: {  	_ =	shalt  }
0x67: {  	_ =	shalt  }
0x68: {  	_ =	shalt  }
0x69: {  	_ =	shalt  }
0x6a: {  	_ =	shalt  }
0x6b: {  	_ =	shalt  }
0x6c: {  	_ =	shalt  }
0x6d: {  	_ =	shalt  }
0x6e: {  	_ =	shalt  }
0x6f: {  	_ =	shalt  }
0x70: {  	_ =	shalt  }
0x71: {  	_ =	shalt  }
0x72: {  	_ =	shalt  }
0x73: {  	_ =	shalt  }
0x74: {  	_ =	shalt  }
0x75: {  	_ =	shalt  }
0x76: {  	_ =	shalt  }
0x77: {  	_ =	shalt  }
0x78: {  	_ =	shalt  }
0x79: {  	_ =	shalt  }
0x7a: {  	_ =	shalt  }
0x7b: {  	_ =	shalt  }
0x7c: {  	_ =	shalt  }
0x7d: {  	_ =	shalt  }
0x7e: {  	_ =	shalt  }
0x7f: {  	_ =	shalt  }
0x80: {  	_ =	shalt  }
0x81: {  	_ =	shalt  }
0x82: {  	_ =	shalt  }
0x83: {  	_ =	shalt  }
0x84: {  	_ =	shalt  }
0x85: {  	_ =	shalt  }
0x86: {  	_ =	shalt  }
0x87: {  	_ =	shalt  }
.Lfunc_end0:
.L_simem_size_0:
called_computation_lowered:
.L_overlay_start_0:
0x88: {  	s2 =	sld [smem:$0x3FD9]  }
0x89: {  	s3 =	sld [smem:$0x3FFE];
	_ =	sdelay $0x1  }
0x8a: {  	s1 =	srdreg.scid  }
0x8b: {  	s0 =	sand.u32 $0x1, s1  }
0x8c: {  	s14 =	sshll.u32 s0, $0xA;
	s2 =	sadd.s32 s3, s2  }
0x8d: {  	s2 =	sadd.s32 s2, s14  }
0x8e: {  	[smem:$0x3FC4] =	sst s2  }
0x8f: {  	_ = 	snop  }
0x90: {  	s2 =	sld [smem:$0x3FD0];
	_ =	sdelay $0x1  }
0x91: {  	s15 =	sld [smem:$0x3FC7]  }
0x92: {  	s5 =	simm.s32 $0xA;
	s6 =	simm.s32 $0x10;
	s4 =	sld [smem:$0x3FC6]  }
0x93: {  	[smem:s6], [sflag:s5] =	dma.local [hbm:s2], $0x1  }
0x94: {  	_ =	swait.eq [sflag:s5], $0x1  }
0x95: {  	s16 =	sld [smem:$0x10];
	[sflag:s5] =	ssyncset.done $0x0  }
0x96: {  	s17 =	sld [smem:$0x11];
	[sflag:s5] =	ssyncadd.s32 $0xFFFFFFFF  }
0x97: {  	s18 =	sld [smem:$0x12];
	(tm) =	ssettm $0x1  }
0x98: {  	s7 =	sld [smem:$0x3FFB];
	_ =	sdelay $0x3  }
0x99: {  	_ =	strace s7  }
0x9a: {  	s7 =	sld [smem:$0x3FFC];
	_ =	sdelay $0x3  }
0x9b: {  	_ =	strace s7  }
0x9c: {  	s7 =	sld [smem:$0x3FFD];
	_ =	sdelay $0x3  }
0x9d: {  	_ =	strace s7  }
0x9e: {  	_ =	strace $0x8FFFFFFF  }
0x9f: {  	s19 =	sld [smem:$0x3FDB];
	_ =	sdelay $0x1  }
0xa0: {  	s8 =	simm.s32 $_scs_section_size  }
0xa1: {  	s9 =	simm.s32 $_size__tile_overlayer_lowered;
	s10 =	simm.s32 $_tile_overlayer_lowered  }
0xa2: {  	s22 =	simm.s32 $0x1BFF;
	s21 =	sshll.u32 s10, $0x1;
	s7 =	sadd.s32 s8, s19  }
0xa3: {  	s11 =	simm.s32 $0x0;
	s20 =	sshll.u32 s9, $0x1;
	s9 =	sadd.s32 s21, s7  }
0xa4: {  	[timem:s11], [sflag:s22] =	dma.local [hbm:s9], s20  }
0xa5: {  	_ =	swait.ge [sflag:s22], s20  }
0xa6: {  	s8 =	ssub.s32 $0x0, s20;
	[sflag:s22] =	ssyncset.done $0x0  }
0xa7: {  	[sflag:s22] =	ssyncadd.s32 s8;
	_ =	sdelay $0x1  }
0xa8: {  	s23 =	simm.s32 $0x1B8B  }
0xa9: {  	_ =	swait.ge [sflag:s23], $0x1  }
0xaa: {  	[sflag:s23] =	ssyncset.done $0x0  }
0xab: {  	s25 =	simm.s32 $0x1B8E;
	s24 =	sld [smem:$0x3FFE];
	[sflag:s23] =	ssyncadd.s32 $0xFFFFFFFF  }
0xac: {  	s26 =	simm.s32 $execute0_lowered;
	[smem:$0x3FD2] =	sst s25  }
0xad: {  	s9 =	sshll.u32 s26, $0x1;
	_ =	strace $0x80000046;
	[dreg:$0x1] =	wrdreg $0xFFFFFFFF  }
0xae: {  	s28 =	simm.s32 $_size_execute0_lowered;
	s7 =	sadd.s32 s7, s9;
	[dreg:$0x0] =	wrdreg $0x0  }
0xaf: {  	s9 =	sshll.u32 s28, $0x1;
	[dreg:$0x2] =	wrdreg s7  }
0xb0: {  	[dreg:$0x3] =	wrdreg s9  }
0xb1: {  	[dreg:$0x4] =	wrdreg $0xC0  }
0xb2: {  	_ =	task [dreg:s11], $0x5FFFF  }
0xb3: {  	[dreg:$0x1] =	wrdreg $0xFFFFFFFF  }
0xb4: {  	[dreg:$0x0] =	wrdreg $0x60  }
0xb5: {  	[dreg:$0x2] =	wrdreg s24  }
0xb6: {  	[dreg:$0x3] =	wrdreg s17  }
0xb7: {  	[dreg:$0x4] =	wrdreg s15  }
0xb8: {  	[dreg:$0x5] =	wrdreg s4  }
0xb9: {  	[dreg:$0x6] =	wrdreg s18  }
0xba: {  	[dreg:$0x7] =	wrdreg s16  }
0xbb: {  	[dreg:$0x8] =	wrdreg $0x9  }
0xbc: {  	_ =	task.clear_ibuf [dreg:s11], $0x9FFFF;
	_ =	strace $0x90000046  }
0xbd: {  	s29 =	simm.s32 $0x9;
	_ =	strace $0x80000048  }
0xbe: {  	_ =	swait.ge [sflag:s29], $0x1  }
0xbf: {  	[sflag:s29] =	ssyncadd.s32 $0xFFFFFFFF  }
0xc0: {  	_ =	strace $0x90000048  }
0xc1: {  	_ =	sfence  }
0xc2: {  	s30 =	sld [smem:$0x0];
	_ =	sdelay $0x2  }
0xc3: {  	s31 =	sshll.u32 s1, $0xD;
	s1 =	sshrl.u32 s1, $0x2  }
0xc4: {  	s3 =	sand.u32 $0x4000, s31;
	s1 =	sadd.s32 s1, s30  }
0xc5: {  	s0 =	sor.u32 s3, s0;
	s1 =	sshll.u32 s1, $0x11  }
0xc6: {  	s0 =	sor.u32 s1, s0  }
0xc7: {  	s0 =	sadd.s32 $0x8F2B, s0  }
0xc8: {  	[sflag:s0] =	ssyncadd.remote.s32 $0x1  }
0xc9: {  	_ =	sfence.sel $0xFFFF  }
0xca: {  	[dreg:$0x0] =	wrdreg $0xFFFFFFFF;
	(pc) =	sbr.abs _section_cstart, $3  }
0xcb: {  	[dreg:$0x1] =	wrdreg $0xFFFFFFFF  }
0xcc: {  	_ =	task.clear_ibuf [dreg:s11], $0x2FFFF;
	_ =	strace $0x9FFFFFFF  }
0xcd: {  	(tm) =	ssettm $0x7FFFFFFF  }
tec
execute0_lowered:
.L_overlay_start_1:
0x0: {  	(tag) =	ssettag $0x1  }
0x1: {  	s3 =	rddreg [dreg:$0x0]  }
0x2: {  	s0 =	srdreg.scid;
	s6 =	rddreg [dreg:$0x1]  }
0x3: {  	s2 =	stileid.u32;
	s9 =	rddreg [dreg:$0x4];
	s4 =	simm.s32 $0x1  }
0x4: {  	s10 =	rddreg [dreg:$0x5];
	s15 =	simm.s32 $0x1080;
	s17 =	simm.s32 $0x80  }
0x5: {  	s18 =	simm.s32 $0x400;
	s19 =	simm.s32 $0x100;
	s20 =	simm.s32 $0x1900  }
0x6: {  	s21 =	simm.s32 $0x2100;
	s22 =	simm.s32 $0x1100;
	s23 =	simm.s32 $0x1500  }
0x7: {  	s24 =	simm.s32 $0x1700;
	s0 =	sand.u32 $0x1, s0;
	s1 =	sshll.u32 s2, $0x1  }
0x8: {  	s25 =	simm.s32 $0x2;
	s14 =	sshll.u32 s2, $0x9;
	s7 =	sor.u32 s0, s1  }
0x9: {  	v0 =	vimm.s32 $0xEDCBA987;
	p1 =	seq.s32 s0, $0x1;
	s26 =	ssub.s32 $0x2, s0;
	s28 =	sshll.u32 s0, $0xB  }
0xa: {  	v1 =	vimm.s32 $0x65432100;
	v2 =	vlaneseq.u32;
	v4 =	vimm.f32 $0.0e+00;
	p0 =	seq.s32 s7, $0x0;
	s7 =	sshll.u32 s7, $0x4;
	s30 =	sshrl.u32 s26, $0x1  }
0xb: {  	v17 =	vimm.s32 $0x3F;
	v0 =	vunpack.c.l.s4.s8 v0;
	v1 =	vunpack.c.l.s4.s8 v1;
	p0 =	por !p0, !p1;
	s7 =	sor.u32 s14, s7;
	s31 =	ssub.s32 s26, s30  }
0xc: {  	v7 =	vadd.s32 $0xFFFFFFFF, v2;
	v8 =	vadd.s32 $0xF, v2;
	v9 =	vadd.s32 $0xE, v2;
	s26 =	simm.s32 $0x0;
	p0 =	por !p0, !p0;
	s29 =	sand.u32 $0x1870, s7  }
0xd: {  	v10 =	vor.u32 $0x10, v2;
	v11 =	vadd.s32 $0x1F, v2;
	v12 =	vadd.s32 $0x1E, v2;
	s14 =	smax.u32 s31, $0x1;
	s4 =	simm.s32 @!p0 $0x0;
	s9 =	sadd.s32 s9, s29  }
0xe: {  	v13 =	vor.u32 $0x20, v2;
	v14 =	vadd.s32 $0x2F, v2;
	v15 =	vadd.s32 $0x2E, v2;
	s10 =	sadd.s32 s10, s29;
	p0 =	sne.s32 s0, $0x0;
	s8 =	ssub.s32 s2, s4  }
0xf: {  	v16 =	vor.u32 $0x30, v2;
	v18 =	vadd.s32 $0x3E, v2;
	v19 =	vadd.s32 $0x3F, v2;
	s4 =	simm.s32 $0x0;
	s11 =	sshrl.u32 s8, $0x3;
	s5 =	sshll.u32 s8, $0x7  }
0x10: {  	v20 =	vor.u32 $0x40, v2;
	v21 =	vadd.s32 $0x4E, v2;
	v22 =	vadd.s32 $0x4F, v2;
	[smem:$0x7FF] =	sst s4;
	s12 =	sand.u32 $0x380, s5;
	s13 =	sshll.u32 s11, $0xA  }
0x11: {  	v23 =	vor.u32 $0x50, v2;
	v24 =	vadd.s32 $0x5E, v2;
	v25 =	vadd.s32 $0x5F, v2;
	_ =	strace $0x80000047;
	s11 =	sshll.u32 s11, $0xF;
	s13 =	sor.u32 s12, s13  }
0x12: {  	v26 =	vor.u32 $0x60, v2;
	v27 =	vadd.s32 $0x6E, v2;
	v3 =	vunpack.c.0.s8.s32 v0;
	s5 =	simm.s32 $0x1;
	s11 =	sor.u32 s12, s11;
	s13 =	sshrl.u32 s13, $0x3  }
0x13: {  	v28 =	vadd.s32 $0x6F, v2;
	v29 =	vor.u32 $0x70, v2;
	v5 =	vunpack.c.0.s8.s32 v1;
	s12 =	sadd.s32 $0x400, s9;
	s11 =	sshrl.u32 s11, $0x3;
	s13 =	sadd.s32 s13, s3  }
0x14: {  	v6 =	vand.u32 $0xF, v3;
	v3 =	vor.u32 s28, v2;
	v0 =	vmov s8;
	s3 =	sadd.s32 s29, s3;
	s6 =	sadd.s32 s6, s11;
	s7 =	sadd.s32 $0xE00, s13  }
0x15: {  	v5 =	vcombine.low v5, v6;
	v6 =	vadd.s32 $0xFFFFFFFE, v2;
	v1 =	vadd.s32 $0x10, v0;
	s8 =	sadd.s32 $0x80, s6;
	s11 =	sadd.s32 $0x1000, s3;
	s13 =	sadd.s32 $0x600, s9  }
.LBB2_1:
0x16: {  	s0 =	rddreg [dreg:$0x2]  }
0x17: {  	[tilespmem:s15], [sflag:$0x1] =	stream.linear.gather [hbm4b:s0+s4], $0x10, $0x38;
	[tilespmem:$0x2900] =	vst v63  }
0x18: {  	s16 =	rddreg [dreg:$0x3];
	s1 =	simm.s32 $0x1090  }
0x19: {  	[tilespmem:s1], [sflag:$0x1] =	stream.linear.gather [hbm4b:s16+s4], $0x10, $0x38;
	[tilespmem:$0x2900] =	vst v63  }
0x1a: {  	_ = 	snop  }
0x1b: {  	[tilespmem:s17], [sflag:$0x1] =	stream.linear.gather [hbm4b:s6+s4], $0x80, $0x38;
	[tilespmem:$0x2900] =	vst v63  }
0x1c: {  	_ = 	snop  }
0x1d: {  	[tilespmem:s4], [sflag:$0x1] =	stream.linear.gather [hbm4b:s7+s4], $0x80, $0x38;
	[tilespmem:$0x2900] =	vst v63  }
0x1e: {  	_ = 	snop  }
0x1f: {  	[tilespmem:s19], [sflag:$0x1] =	stream.strided.gather [hbm4b:s8+s17], $0xF80, s18, s17, $0x38;
	[tilespmem:$0x2900] =	vst v63  }
0x20: {  	_ =	swait.ge [sflag:s5], $0x10  }
0x21: {  	[sflag:s5] =	ssyncset.done $0x0  }
0x22: {  	[sflag:s5] =	ssyncadd.s32 $0xFFFFFFF0  }
0x23: {  	_ =	swait.ge [sflag:s5], $0x10  }
0x24: {  	[sflag:s5] =	ssyncset.done $0x0  }
0x25: {  	[sflag:s5] =	ssyncadd.s32 $0xFFFFFFF0  }
0x26: {  	v32 =	vld.idx.msk [tilespmem:v0+s15+$0x0], $0xffff  }
0x27: {  	s2 =	simm.s32 $0x0;
	s3 =	simm.s32 $0x20;
	v30 =	vld.idx.msk [tilespmem:v1+s15+$0x0], $0xffff  }
0x28: {  	s28 =	simm.s32 $0x10;
	v35 =	vor.u32 s2, v3;
	v37 =	vor.u32 s3, v3;
	s2 =	simm.s32 $0x60;
	s16 =	simm.s32 $0x30  }
0x29: {  	v34 =	vor.u32 s28, v3;
	s3 =	simm.s32 $0x50;
	v39 =	vor.u32 s2, v3;
	s1 =	simm.s32 $0x40;
	v38 =	vor.u32 s16, v3;
	s16 =	simm.s32 $0x70  }
0x2a: {  	v43 =	vor.u32 s3, v3;
	v36 =	vor.u32 s1, v3;
	v60 =	vor.u32 s16, v3  }
0x2b: {  	v31 =	vsub.s32 $0xFFE, v32;
	v33 =	vadd.s32 $0x1, v32;
	vm1 =	vgt.s32 v37, v32  }
0x2c: {  	vm5 =	vgt.s32 v35, v32;
	vm4 =	vgt.s32 v38, v32;
	vm0 =	vlt.s32 v30, v31  }
0x2d: {  	vm8 =	vgt.s32 v39, v32;
	v30 =	vsel vm0, v30, v31;
	v31 =	vadd.s32 $0x2, v32  }
0x2e: {  	vm11 =	vgt.s32 v43, v32;
	vm13 =	vgt.s32 v36, v32;
	v30 =	vadd.s32 v31, v30  }
0x2f: {  	vm15 =	vgt.s32 v60, v32;
	v40 =	vsub.s32 v38, v33;
	vm6 =	vlt.s32 v35, v30  }
0x30: {  	s29 =	simm.s32 $0x1940;
	v41 =	vsub.s32 v39, v33;
	vm0 =	vlt.s32 v34, v30;
	v44 =	vsel vm6, $0x3F800000, v4  }
0x31: {  	v42 =	vsub.s32 v35, v33;
	vm7 =	vlt.s32 v39, v30;
	v50 =	vsel vm0, $0x3F800000, v4;
	[tilespmem:s29+$0xFFFFFFC0] =	vst v44  }
0x32: {  	v53 =	vsub.s32 v37, v33;
	vm12 =	vlt.s32 v36, v30;
	v52 =	vsel vm7, $0x3F800000, v4;
	[tilespmem:s29+$0xFFFFFFD0] =	vst v50  }
0x33: {  	v54 =	vsub.s32 v36, v33;
	vm2 =	vlt.s32 v38, v30;
	v45 =	vsel vm12, $0x3F800000, v4;
	[tilespmem:s29+$0x20] =	vst v52  }
0x34: {  	v55 =	vsub.s32 v43, v33;
	vm14 =	vlt.s32 v37, v30;
	v56 =	vsel vm2, $0x3F800000, v4;
	[tilespmem:s29+$0x0] =	vst v45  }
0x35: {  	v41 =	vnsel vm7, $0x0, v41;
	v51 =	vnsel vm6, $0x0, v42;
	v59 =	vsel vm14, $0x3F800000, v4;
	[tilespmem:s29+$0xFFFFFFF0] =	vst v56  }
0x36: {  	s28 =	simm.s32 $0x2140;
	vm3 =	vlt.s32 v43, v30;
	v39 =	vsel vm8, v41, v39;
	v41 =	vsel vm5, v51, v35;
	[tilespmem:s29+$0xFFFFFFE0] =	vst v59  }
0x37: {  	v62 =	vsub.s32 v60, v33;
	v57 =	vnsel vm3, $0x0, v55;
	v58 =	vnsel vm2, $0x0, v40;
	[tilespmem:s28+$0xFFFFFFC0] =	vst v41  }
0x38: {  	v61 =	vnsel vm14, $0x0, v53;
	vm2 =	vlt.s32 v60, v30;
	v38 =	vsel vm4, v58, v38;
	[tilespmem:s28+$0x20] =	vst v39  }
0x39: {  	v35 =	vsub.s32 v34, v33;
	v63 =	vsel vm2, $0x3F800000, v4;
	v41 =	vnsel vm12, $0x0, v54;
	[tilespmem:s28+$0xFFFFFFF0] =	vst v38  }
0x3a: {  	s30 =	simm.s32 $0x0;
	v37 =	vsel vm1, v61, v37;
	v38 =	vnsel vm2, $0x0, v62;
	[tilespmem:s29+$0x30] =	vst v63;
	v41 =	vsel vm13, v41, v36  }
0x3b: {  	s31 =	simm.s32 $0xF0;
	s0 =	simm.s32 $0x21C0;
	s3 =	simm.s32 $0x19C0;
	v39 =	vsel vm3, $0x3F800000, v4;
	v36 =	vsel vm11, v57, v43;
	v38 =	vsel vm15, v38, v60;
	[tilespmem:s28+$0x0] =	vst v41  }
.LBB2_2:
0x3c: {  	s1 =	sadd.s32 $0xFFFFFF90, s31;
	s2 =	sadd.s32 $0xFFFFFFA0, s31;
	s16 =	sadd.s32 $0xFFFFFFB0, s31;
	vm3 =	vgt.s32 v34, v32;
	v35 =	vnsel vm0, $0x0, v35;
	[tilespmem:s29+$0x10] =	vst v39  }
0x3d: {  	v39 =	vor.u32 s1, v3;
	v40 =	vor.u32 s2, v3;
	v41 =	vor.u32 s16, v3;
	s1 =	sadd.s32 $0xFFFFFFC0, s31;
	s2 =	sadd.s32 $0xFFFFFFD0, s31;
	s16 =	sadd.s32 $0xFFFFFFE0, s31;
	[tilespmem:s28+$0x30] =	vst v38  }
0x3e: {  	s30 =	sadd.s32 $0x8, s30;
	s29 =	smov.u32 s3;
	vm1 =	vgt.s32 v41, v32;
	v38 =	vor.u32 s1, v3;
	v42 =	vor.u32 s2, v3;
	s1 =	sadd.s32 $0xFFFFFFF0, s31;
	[tilespmem:s28+$0x10] =	vst v36  }
0x3f: {  	p1 =	slt.u32 s30, $0x78;
	v35 =	vsel vm3, v35, v34;
	v34 =	vmovc v40;
	vm2 =	vlt.s32 v38, v30;
	v36 =	vor.u32 s1, v3;
	[tilespmem:s28+$0xFFFFFFE0] =	vst v37  }
0x40: {  	vm5 =	vgt.s32 v39, v32;
	v37 =	vsub.s32 v38, v33;
	v40 =	vsub.s32 v36, v33;
	[tilespmem:s28+$0xFFFFFFD0] =	vst v35;
	s28 =	smov.u32 s0  }
0x41: {  	vm6 =	vlt.s32 v39, v30;
	v43 =	vor.u32 s16, v3;
	v35 =	vsub.s32 v39, v33  }
0x42: {  	v44 =	vsel vm6, $0x3F800000, v4;
	vm4 =	vgt.s32 v38, v32;
	vm7 =	vlt.s32 v36, v30  }
0x43: {  	vm0 =	vlt.s32 v34, v30;
	vm8 =	vgt.s32 v36, v32;
	v40 =	vnsel vm7, $0x0, v40  }
0x44: {  	vm3 =	vlt.s32 v43, v30;
	v36 =	vsel vm8, v40, v36;
	[tilespmem:s3+$0xFFFFFFC0] =	vst v44;
	v44 =	vsel vm0, $0x3F800000, v4  }
0x45: {  	v35 =	vnsel vm6, $0x0, v35;
	vm6 =	vgt.s32 v43, v32;
	v40 =	vsel vm7, $0x3F800000, v4;
	[tilespmem:s3+$0xFFFFFFD0] =	vst v44  }
0x46: {  	v39 =	vsel vm5, v35, v39;
	v35 =	vsub.s32 v34, v33;
	v44 =	vsub.s32 v41, v33;
	[tilespmem:s3+$0x20] =	vst v40  }
0x47: {  	vm5 =	vlt.s32 v42, v30;
	v40 =	vsub.s32 v43, v33;
	[tilespmem:s0+$0xFFFFFFC0] =	vst v39;
	v39 =	vsub.s32 v42, v33  }
0x48: {  	vm7 =	vgt.s32 v42, v32;
	v45 =	vsel vm5, $0x3F800000, v4;
	v39 =	vnsel vm5, $0x0, v39;
	[tilespmem:s0+$0x20] =	vst v36  }
0x49: {  	v40 =	vnsel vm3, $0x0, v40;
	v36 =	vsel vm2, $0x3F800000, v4;
	[tilespmem:s3+$0x0] =	vst v45;
	v39 =	vsel vm7, v39, v42  }
.Ltmp0:
0x4a: {  	v37 =	vnsel vm2, $0x0, v37;
	vm5 =	vlt.s32 v41, v30;
	[tilespmem:s3+$0xFFFFFFF0] =	vst v36;
	v36 =	vsel vm6, v40, v43;
	(pc) =	sbr.rel @p1 .LBB2_2-.Ltmp0, $4  }
0x4b: {  	v37 =	vsel vm4, v37, v38;
	v38 =	vor.u32 s31, v3;
	v40 =	vsel vm5, $0x3F800000, v4;
	[tilespmem:s0+$0x0] =	vst v39  }
0x4c: {  	vm2 =	vlt.s32 v38, v30;
	v39 =	vnsel vm5, $0x0, v44;
	[tilespmem:s0+$0xFFFFFFF0] =	vst v37;
	v37 =	vsub.s32 v38, v33  }
0x4d: {  	vm4 =	vgt.s32 v38, v32;
	[tilespmem:s3+$0xFFFFFFE0] =	vst v40;
	v40 =	vsel vm2, $0x3F800000, v4;
	v42 =	vnsel vm2, $0x0, v37  }
0x4e: {  	s31 =	sadd.s32 $0x80, s31;
	s0 =	sadd.s32 $0x80, s0;
	v37 =	vsel vm1, v39, v41;
	v39 =	vsel vm3, $0x3F800000, v4;
	s3 =	sadd.s32 $0x80, s3;
	[tilespmem:s29+$0x30] =	vst v40;
	v38 =	vsel vm4, v42, v38  }
0x4f: {  	[tilespmem:s29+$0x10] =	vst v39  }
0x50: {  	[tilespmem:s28+$0x30] =	vst v38  }
0x51: {  	vm1 =	vgt.s32 v34, v32;
	v35 =	vnsel vm0, $0x0, v35;
	[tilespmem:s28+$0xFFFFFFE0] =	vst v37  }
0x52: {  	[tilespmem:s28+$0x10] =	vst v36;
	v34 =	vsel vm1, v35, v34  }
0x53: {  	[tilespmem:s28+$0xFFFFFFD0] =	vst v34  }
0x54: {  	[hbm4b:s10+s17] =	stream.strided.scatter [tilespmem:s20], [sflag:$0x2], $0x800, s18, s17, $0x38;
	[tilespmem:$0x2900] =	vst v63  }
0x55: {  	_ = 	snop  }
0x56: {  	[hbm4b:s11+s17] =	stream.strided.scatter [tilespmem:s21], [sflag:$0x2], $0x800, s18, s17, $0x38;
	[tilespmem:$0x2900] =	vst v63  }
0x57: {  	_ =	swait.ge [sflag:s5], $0x80  }
.Ltmp1:
0x58: {  	[sflag:s5] =	ssyncset.done $0x0;
	(pc) =	sbr.rel @p0 .LBB2_5-.Ltmp1, $4  }
0x59: {  	[sflag:s5] =	ssyncadd.s32 $0xFFFFFF80  }
0x5a: {  	_ =	swait.ge [sflag:s5], $0x80  }
0x5b: {  	[sflag:s5] =	ssyncset.done $0x0  }
0x5c: {  	s0 =	simm.s32 $0x0;
	[sflag:s5] =	ssyncadd.s32 $0xFFFFFF80  }
0x5d: {  	v34 =	vsub.s32 v6, v32  }
0x5e: {  	vm0 =	vgt.s32 v34, $0x0  }
0x5f: {  	v34 =	vnsel vm0, $0x0, v34  }
0x60: {  	v34 =	vmin.u32 v34, $0x7E;
	_ =	sdelay $0x4  }
0x61: {  	v34 =	vld.idx.msk [tilespmem:v34+s17+$0x0], $0xffff;
	_ =	sdelay $0x1  }
0x62: {  	v35 =	vld.idx.msk [tilespmem:v5+s4+$0x0], $0xffff;
	v36 =	vsub.s32 v9, v32  }
0x63: {  	vm9 =	vgt.s32 v36, $0x0  }
0x64: {  	vm1 =	vgt.s32 v30, v2;
	v36 =	vnsel vm9, $0x0, v36  }
0x65: {  	vm10 =	veq.s32 v33, v2;
	v36 =	vmin.u32 v36, $0x7E;
	v34 =	vnsel vm1, $0x0, v34  }
0x66: {  	vm11 =	vgt.s32 v32, v7;
	v34 =	vsel vm10, $0x66, v34  }
0x67: {  	vm12 =	veq.s32 v2, $0x0;
	v34 =	vsel vm11, v35, v34  }
0x68: {  	v34 =	vsel vm12, $0x65, v34  }
0x69: {  	[tilespmem:$0x1100] =	vst v34  }
0x6a: {  	v34 =	vld.idx.msk [tilespmem:v36+s17+$0x0], $0xffff  }
0x6b: {  	v49 =	vsub.s32 v12, v32  }
0x6c: {  	vm13 =	vgt.s32 v49, $0x0;
	v50 =	vld.idx.msk [tilespmem:v8+s4+$0x0], $0xffff  }
0x6d: {  	v35 =	vnsel vm13, $0x0, v49  }
0x6e: {  	vm14 =	vgt.s32 v30, v10;
	v35 =	vmin.u32 v35, $0x7E  }
0x6f: {  	vm15 =	veq.s32 v33, v10;
	v34 =	vnsel vm14, $0x0, v34  }
0x70: {  	vm4 =	vgt.s32 v32, v8;
	v34 =	vsel vm15, $0x66, v34  }
0x71: {  	v34 =	vsel vm4, v50, v34  }
0x72: {  	[tilespmem:$0x1110] =	vst v34  }
0x73: {  	v34 =	vld.idx.msk [tilespmem:v35+s17+$0x0], $0xffff  }
0x74: {  	v51 =	vsub.s32 v15, v32  }
0x75: {  	vm5 =	vgt.s32 v51, $0x0;
	v52 =	vld.idx.msk [tilespmem:v11+s4+$0x0], $0xffff  }
0x76: {  	v35 =	vnsel vm5, $0x0, v51  }
0x77: {  	vm6 =	vgt.s32 v30, v13;
	v35 =	vmin.u32 v35, $0x7E  }
0x78: {  	vm7 =	veq.s32 v33, v13;
	v34 =	vnsel vm6, $0x0, v34  }
0x79: {  	vm8 =	vgt.s32 v32, v11;
	v34 =	vsel vm7, $0x66, v34  }
0x7a: {  	v34 =	vsel vm8, v52, v34  }
0x7b: {  	[tilespmem:$0x1120] =	vst v34  }
0x7c: {  	v34 =	vld.idx.msk [tilespmem:v35+s17+$0x0], $0xffff  }
0x7d: {  	v53 =	vsub.s32 v18, v32  }
0x7e: {  	vm9 =	vgt.s32 v53, $0x0;
	v54 =	vld.idx.msk [tilespmem:v14+s4+$0x0], $0xffff  }
0x7f: {  	v35 =	vnsel vm9, $0x0, v53  }
0x80: {  	vm10 =	vgt.s32 v30, v16;
	v35 =	vmin.u32 v35, $0x7E  }
0x81: {  	vm11 =	veq.s32 v33, v16;
	v34 =	vnsel vm10, $0x0, v34  }
0x82: {  	vm12 =	vgt.s32 v32, v14;
	v34 =	vsel vm11, $0x66, v34  }
0x83: {  	v34 =	vsel vm12, v54, v34  }
0x84: {  	[tilespmem:$0x1130] =	vst v34  }
0x85: {  	v34 =	vld.idx.msk [tilespmem:v35+s17+$0x0], $0xffff  }
0x86: {  	v55 =	vsub.s32 v21, v32  }
0x87: {  	vm13 =	vgt.s32 v55, $0x0;
	v56 =	vld.idx.msk [tilespmem:v17+s4+$0x0], $0xffff  }
0x88: {  	v35 =	vnsel vm13, $0x0, v55  }
0x89: {  	vm14 =	vgt.s32 v30, v20;
	v35 =	vmin.u32 v35, $0x7E  }
0x8a: {  	vm15 =	veq.s32 v33, v20;
	v34 =	vnsel vm14, $0x0, v34  }
0x8b: {  	vm4 =	vgt.s32 v32, v19;
	v34 =	vsel vm15, $0x66, v34  }
0x8c: {  	v34 =	vsel vm4, v56, v34  }
0x8d: {  	[tilespmem:$0x1140] =	vst v34  }
0x8e: {  	v34 =	vld.idx.msk [tilespmem:v35+s17+$0x0], $0xffff  }
0x8f: {  	v57 =	vsub.s32 v24, v32  }
0x90: {  	vm5 =	vgt.s32 v57, $0x0;
	v58 =	vld.idx.msk [tilespmem:v17+s4+$0x0], $0xffff  }
0x91: {  	v35 =	vnsel vm5, $0x0, v57  }
0x92: {  	vm6 =	vgt.s32 v30, v23;
	v35 =	vmin.u32 v35, $0x7E  }
0x93: {  	vm7 =	veq.s32 v33, v23;
	v34 =	vnsel vm6, $0x0, v34  }
0x94: {  	vm8 =	vgt.s32 v32, v22;
	v34 =	vsel vm7, $0x66, v34  }
0x95: {  	v34 =	vsel vm8, v58, v34  }
0x96: {  	[tilespmem:$0x1150] =	vst v34  }
0x97: {  	v34 =	vld.idx.msk [tilespmem:v35+s17+$0x0], $0xffff  }
0x98: {  	v59 =	vsub.s32 v27, v32  }
0x99: {  	vm9 =	vgt.s32 v59, $0x0;
	v60 =	vld.idx.msk [tilespmem:v17+s4+$0x0], $0xffff  }
0x9a: {  	v35 =	vnsel vm9, $0x0, v59  }
0x9b: {  	vm10 =	vgt.s32 v30, v26;
	v35 =	vmin.u32 v35, $0x7E  }
0x9c: {  	vm11 =	veq.s32 v33, v26;
	v34 =	vnsel vm10, $0x0, v34  }
0x9d: {  	vm12 =	vgt.s32 v32, v25;
	v34 =	vsel vm11, $0x66, v34  }
0x9e: {  	v34 =	vsel vm12, v60, v34  }
0x9f: {  	[tilespmem:$0x1160] =	vst v34  }
0xa0: {  	v34 =	vld.idx.msk [tilespmem:v35+s17+$0x0], $0xffff;
	_ =	sdelay $0x1  }
0xa1: {  	v61 =	vld.idx.msk [tilespmem:v17+s4+$0x0], $0xffff;
	_ =	sdelay $0x1  }
0xa2: {  	vm13 =	vgt.s32 v30, v29  }
0xa3: {  	vm14 =	veq.s32 v33, v29;
	v62 =	vnsel vm13, $0x0, v34  }
0xa4: {  	vm15 =	vgt.s32 v32, v28;
	v63 =	vsel vm14, $0x66, v62  }
0xa5: {  	v32 =	vsel vm15, v61, v63  }
0xa6: {  	s0 =	simm.s32 $0x8;
	[tilespmem:$0x1170] =	vst v32  }
.LBB2_5:
0xa7: {  	s1 =	sshll.u32 s0, $0x4  }
0xa8: {  	s2 =	sadd.s32 $0x70, s1  }
0xa9: {  	s3 =	sadd.s32 $0xFFFFFF90, s2  }
0xaa: {  	s16 =	sadd.s32 $0xFFFFFFD0, s2;
	v32 =	vor.u32 s3, v3  }
0xab: {  	s31 =	sadd.s32 $0xFFFFFFF8, s0;
	s29 =	sadd.s32 $0xFFFFFFF0, s2;
	v38 =	vor.u32 s16, v3;
	v33 =	vsub.s32 v32, v31  }
0xac: {  	_ =	swait.ge [sflag:s5], $0xF80;
	s0 =	sadd.s32 $0x8, s31;
	v36 =	vor.u32 s29, v3;
	v35 =	vsub.s32 v38, v31  }
0xad: {  	[sflag:s5] =	ssyncset.done $0x0;
	p2 =	slt.u32 s0, $0x38;
	v39 =	vsub.s32 v36, v31  }
.Ltmp2:
0xae: {  	s30 =	sadd.s32 $0xFFFFFFA0, s2;
	s28 =	sadd.s32 $0xFFFFFFE0, s2;
	(pc) =	sbr.rel @!p2 .LBB2_6-.Ltmp2, $4  }
0xaf: {  	[sflag:s5] =	ssyncadd.s32 $0xFFFFF080;
	v50 =	vor.u32 s2, v3;
	s16 =	sadd.s32 $0xFFFFFFC0, s2;
	s29 =	sadd.s32 $0xFFFFFFB0, s2;
	v47 =	vor.u32 s30, v3;
	v51 =	vor.u32 s28, v3  }
0xb0: {  	v48 =	vor.u32 s16, v3;
	v37 =	vsub.s32 v47, v31;
	v40 =	vor.u32 s29, v3;
	v34 =	vld.idx.msk [tilespmem:v33+s17+$0x0], $0xffff  }
0xb1: {  	v42 =	vsub.s32 v51, v31;
	vm0 =	vlt.s32 v38, v30;
	v53 =	vsub.s32 v48, v31;
	v33 =	vld.idx.msk [tilespmem:v35+s17+$0x0], $0xffff  }
0xb2: {  	p1 =	por $0x0, $0x0;
	s28 =	sadd.s32 $0x1140, s1;
	s3 =	sadd.s32 $0x80, s2;
	vm2 =	vlt.s32 v40, v30;
	v35 =	vsub.s32 v40, v31;
	v38 =	vld.idx.msk [tilespmem:v39+s17+$0x0], $0xffff;
	v40 =	vsub.s32 v50, v31  }
0xb3: {  	_ = 	snop  }
0xb4: {  	vm3 =	vlt.s32 v32, v30  }
0xb5: {  	s1 =	sadd.s32 $0xFFFFFF90, s3;
	s2 =	sadd.s32 $0xFFFFFFA0, s3;
	vm4 =	vlt.s32 v36, v30;
	vm1 =	vmmov vm2;
	vm2 =	vlt.s32 v51, v30  }
0xb6: {  	s30 =	sadd.s32 $0xFFFFFFC0, s3;
	s16 =	sadd.s32 $0xFFFFFFD0, s3;
	vm5 =	vlt.s32 v48, v30;
	v32 =	vor.u32 s1, v3;
	v39 =	vor.u32 s2, v3  }
0xb7: {  	v45 =	vld.idx.msk [tilespmem:v42+s17+$0x0], $0xffff;
	s31 =	sadd.s32 $0xFFFFFFE0, s3;
	v43 =	vor.u32 s30, v3;
	v52 =	vor.u32 s16, v3;
	s30 =	sadd.s32 $0xFFFFFFF0, s3;
	v54 =	vsub.s32 v32, v31  }
0xb8: {  	v55 =	vld.idx.msk [tilespmem:v37+s17+$0x0], $0xffff;
	s0 =	sadd.s32 $0x8, s0;
	v41 =	vor.u32 s31, v3;
	v36 =	vor.u32 s30, v3;
	v56 =	vsub.s32 v52, v31  }
0xb9: {  	v53 =	vld.idx.msk [tilespmem:v53+s17+$0x0], $0xffff;
	s31 =	sadd.s32 $0xFFFFFFB0, s3;
	p2 =	slt.u32 s0, $0x38;
	v44 =	vsub.s32 v43, v31;
	v37 =	vsub.s32 v39, v31;
	v57 =	vsub.s32 v36, v31  }
.Ltmp3:
0xba: {  	v46 =	vld.idx.msk [tilespmem:v35+s17+$0x0], $0xffff;
	v42 =	vsub.s32 v41, v31;
	v62 =	vor.u32 s31, v3;
	v58 =	vnsel vm3, $0x0, v34;
	(pc) =	sbr.rel @!p2 .LBB2_8-.Ltmp3, $4  }
0xbb: {  	v49 =	vld.idx.msk [tilespmem:v40+s17+$0x0], $0xffff;
	vm3 =	vlt.s32 v50, v30;
	v35 =	vsub.s32 v62, v31;
	v33 =	vnsel vm0, $0x0, v33;
	[tilespmem:s28+$0xFFFFFFC0] =	vst v58  }
0xbc: {  	vm0 =	vlt.s32 v52, v30;
	v38 =	vnsel vm4, $0x0, v38;
	vm4 =	vlt.s32 v47, v30;
	[tilespmem:s28+$0x0] =	vst v33;
	v34 =	vld.idx.msk [tilespmem:v54+s17+$0x0], $0xffff  }
0xbd: {  	v63 =	vnsel vm2, $0x0, v45;
	[tilespmem:s28+$0x20] =	vst v38;
	vm2 =	vlt.s32 v62, v30;
	v45 =	vor.u32 s3, v3;
	v33 =	vld.idx.msk [tilespmem:v56+s17+$0x0], $0xffff  }
0xbe: {  	s29 =	sadd.s32 $0x80, s3;
	p1 =	por $0x1, $0x1;
	v52 =	vnsel vm5, $0x0, v53;
	s3 =	sadd.s32 $0x80, s28;
	[tilespmem:s28+$0x10] =	vst v63;
	v40 =	vsub.s32 v45, v31;
	v54 =	vnsel vm4, $0x0, v55;
	v38 =	vld.idx.msk [tilespmem:v57+s17+$0x0], $0xffff  }
.LBB2_9:
0xbf: {  	vm4 =	vlt.s32 v32, v30;
	vm5 =	vlt.s32 v36, v30  }
0xc0: {  	s1 =	sadd.s32 $0xFFFFFF90, s29;
	s2 =	sadd.s32 $0xFFFFFFA0, s29;
	s16 =	sadd.s32 $0xFFFFFFB0, s29;
	v47 =	vld.idx.msk [tilespmem:v42+s17+$0x0], $0xffff;
	[tilespmem:s28+$0xFFFFFFD0] =	vst v54;
	v36 =	vnsel vm3, $0x0, v49;
	vm3 =	vmmov vm1;
	vm1 =	vmmov vm2  }
0xc1: {  	s30 =	sadd.s32 $0xFFFFFFE0, s29;
	v32 =	vor.u32 s1, v3;
	v48 =	vor.u32 s2, v3;
	s1 =	sadd.s32 $0xFFFFFFC0, s29;
	s2 =	sadd.s32 $0xFFFFFFD0, s29;
	v42 =	vnsel vm3, $0x0, v46;
	[tilespmem:s28+$0x30] =	vst v36  }
0xc2: {  	s0 =	sadd.s32 $0x8, s0;
	v46 =	vor.u32 s30, v3;
	v50 =	vor.u32 s1, v3;
	v51 =	vor.u32 s2, v3;
	s1 =	sadd.s32 $0xFFFFFFF0, s29;
	[tilespmem:s28+$0xFFFFFFE0] =	vst v42  }
0xc3: {  	p2 =	slt.u32 s0, $0x38;
	v53 =	vsub.s32 v32, v31;
	v54 =	vsub.s32 v50, v31;
	v36 =	vor.u32 s1, v3;
	v55 =	vld.idx.msk [tilespmem:v37+s17+$0x0], $0xffff;
	[tilespmem:s28+$0xFFFFFFF0] =	vst v52;
	s28 =	smov.u32 s3  }
0xc4: {  	vm2 =	vlt.s32 v41, v30;
	v52 =	vsub.s32 v51, v31;
	v56 =	vsub.s32 v36, v31;
	v57 =	vld.idx.msk [tilespmem:v44+s17+$0x0], $0xffff  }
0xc5: {  	v42 =	vsub.s32 v46, v31;
	v41 =	vmovc v46;
	v37 =	vsub.s32 v48, v31;
	v38 =	vnsel vm5, $0x0, v38;
	v49 =	vld.idx.msk [tilespmem:v40+s17+$0x0], $0xffff  }
.Ltmp4:
0xc6: {  	v58 =	vnsel vm4, $0x0, v34;
	v44 =	vmovc v54;
	v40 =	vor.u32 s16, v3;
	v34 =	vnsel vm2, $0x0, v47;
	v46 =	vld.idx.msk [tilespmem:v35+s17+$0x0], $0xffff;
	[tilespmem:s3+$0x20] =	vst v38;
	(pc) =	sbr.rel @p2 .LBB2_9-.Ltmp4, $4  }
0xc7: {  	v33 =	vnsel vm0, $0x0, v33;
	v35 =	vsub.s32 v40, v31;
	vm2 =	vlt.s32 v40, v30;
	[tilespmem:s3+$0x10] =	vst v34  }
0xc8: {  	vm4 =	vlt.s32 v39, v30;
	v39 =	vmov v48;
	vm5 =	vlt.s32 v43, v30;
	v34 =	vld.idx.msk [tilespmem:v53+s17+$0x0], $0xffff;
	[tilespmem:s3+$0x0] =	vst v33  }
0xc9: {  	vm3 =	vlt.s32 v45, v30;
	v45 =	vor.u32 s29, v3;
	vm0 =	vlt.s32 v51, v30;
	v33 =	vld.idx.msk [tilespmem:v52+s17+$0x0], $0xffff;
	[tilespmem:s3+$0xFFFFFFC0] =	vst v58  }
0xca: {  	s29 =	sadd.s32 $0x80, s29;
	v43 =	vmovc v50;
	v40 =	vsub.s32 v45, v31;
	v54 =	vnsel vm4, $0x0, v55;
	v52 =	vnsel vm5, $0x0, v57;
	s3 =	sadd.s32 $0x80, s3;
	v38 =	vld.idx.msk [tilespmem:v56+s17+$0x0], $0xffff  }
0xcb: {  	s0 =	smov.u32 s28;
	s28 =	smov.u32 s3;
	v53 =	vmovc v44;
	v51 =	vmovc v41;
	v47 =	vmov v39;
	v48 =	vmov v43;
	v50 =	vmov v45  }
.LBB2_11:
0xcc: {  	_ =	sdelay $0x2  }
0xcd: {  	[tilespmem:s0+$0xFFFFFFD0] =	vst @p1 v54  }
0xce: {  	v39 =	vld.idx.msk [tilespmem:v42+s17+$0x0], $0xffff;
	v41 =	vnsel @p1 vm3, $0x0, v49;
	vm1 =	vmmov @p1 vm1;
	[tilespmem:s0+$0xFFFFFFF0] =	vst @p1 v52  }
0xcf: {  	v37 =	vld.idx.msk [tilespmem:v37+s17+$0x0], $0xffff;
	v43 =	vnsel @p1 vm1, $0x0, v46;
	[tilespmem:s0+$0x30] =	vst @p1 v41  }
0xd0: {  	v40 =	vld.idx.msk [tilespmem:v40+s17+$0x0], $0xffff;
	vm1 =	vlt.s32 v32, v30;
	[tilespmem:s0+$0xFFFFFFE0] =	vst @p1 v43;
	v33 =	vnsel vm0, $0x0, v33  }
0xd1: {  	v63 =	vld.idx.msk [tilespmem:v53+s17+$0x0], $0xffff;
	vm3 =	vlt.s32 v36, v30;
	vm2 =	vmmov vm2;
	s2 =	simm.s32 $0x400;
	v34 =	vnsel vm1, $0x0, v34;
	[tilespmem:s28+$0x0] =	vst v33  }
0xd2: {  	v44 =	vld.idx.msk [tilespmem:v35+s17+$0x0], $0xffff;
	vm4 =	vlt.s32 v51, v30;
	s3 =	simm.s32 $0x460;
	v52 =	vor.u32 s2, v3;
	v45 =	vnsel vm3, $0x0, v38;
	[tilespmem:s28+$0xFFFFFFC0] =	vst v34  }
0xd3: {  	v54 =	vor.u32 s3, v3;
	vm0 =	vlt.s32 v47, v30;
	[tilespmem:s28+$0x20] =	vst v45;
	v46 =	vnsel vm4, $0x0, v39  }
0xd4: {  	vm1 =	vlt.s32 v48, v30;
	vm3 =	vlt.s32 v50, v30;
	v49 =	vnsel vm0, $0x0, v37;
	[tilespmem:s28+$0x10] =	vst v46  }
0xd5: {  	s2 =	simm.s32 $0x450;
	v53 =	vsub.s32 v52, v31;
	v55 =	vsub.s32 v54, v31;
	v51 =	vnsel vm3, $0x0, v40;
	[tilespmem:s28+$0xFFFFFFD0] =	vst v49  }
0xd6: {  	s30 =	simm.s32 $0x440;
	v38 =	vor.u32 s2, v3;
	v50 =	vnsel vm1, $0x0, v63;
	vm0 =	vmmov vm2;
	[tilespmem:s28+$0x30] =	vst v51  }
0xd7: {  	s1 =	simm.s32 $0x410;
	s31 =	simm.s32 $0x420;
	v56 =	vor.u32 s30, v3;
	v57 =	vsub.s32 v38, v31;
	v32 =	vnsel vm0, $0x0, v44;
	[tilespmem:s28+$0xFFFFFFF0] =	vst v50  }
0xd8: {  	s16 =	simm.s32 $0x430;
	v41 =	vor.u32 s1, v3;
	v60 =	vor.u32 s31, v3;
	s3 =	simm.s32 $0x480;
	v58 =	vsub.s32 v56, v31;
	[tilespmem:s28+$0xFFFFFFE0] =	vst v32  }
0xd9: {  	v59 =	vsub.s32 v41, v31;
	v47 =	vsub.s32 v60, v31;
	v34 =	vor.u32 s3, v3;
	[hbm4b:s9+s17] =	stream.strided.scatter [tilespmem:s22], [sflag:$0x2], $0x400, s18, s17, $0x38;
	[tilespmem:$0x2900] =	vst v63  }
0xda: {  	s30 =	simm.s32 $0x4B0;
	s2 =	simm.s32 $0x470;
	vm2 =	vlt.s32 v52, v30;
	v52 =	vsub.s32 v34, v31;
	v46 =	vor.u32 s16, v3;
	v43 =	vld.idx.msk [tilespmem:v53+s17+$0x0], $0xffff  }
0xdb: {  	s3 =	simm.s32 $0x4D0;
	v33 =	vor.u32 s30, v3;
	v48 =	vor.u32 s2, v3;
	v40 =	vsub.s32 v46, v31;
	v61 =	vld.idx.msk [tilespmem:v55+s17+$0x0], $0xffff  }
0xdc: {  	v35 =	vor.u32 s3, v3;
	vm1 =	vlt.s32 v56, v30;
	v44 =	vsub.s32 v48, v31;
	v62 =	vld.idx.msk [tilespmem:v57+s17+$0x0], $0xffff  }
0xdd: {  	s31 =	simm.s32 $0x4C0;
	vm3 =	vlt.s32 v54, v30;
	v37 =	vsub.s32 v33, v31;
	vm4 =	vlt.s32 v38, v30;
	s16 =	simm.s32 $0x490;
	v63 =	vld.idx.msk [tilespmem:v58+s17+$0x0], $0xffff  }
0xde: {  	v45 =	vsub.s32 v35, v31;
	v50 =	vor.u32 s31, v3;
	v32 =	vor.u32 s16, v3;
	s16 =	simm.s32 $0x4E0;
	v53 =	vld.idx.msk [tilespmem:v59+s17+$0x0], $0xffff  }
0xdf: {  	vm0 =	vlt.s32 v60, v30;
	v60 =	vsub.s32 v50, v31;
	v39 =	vor.u32 s16, v3;
	v42 =	vld.idx.msk [tilespmem:v52+s17+$0x0], $0xffff  }
0xe0: {  	s30 =	simm.s32 $0x4A0;
	vm5 =	vlt.s32 v48, v30;
	vm0 =	vmmov vm0;
	v55 =	vsub.s32 v39, v31;
	v56 =	vld.idx.msk [tilespmem:v40+s17+$0x0], $0xffff  }
0xe1: {  	s29 =	simm.s32 $0x1570;
	v44 =	vld.idx.msk [tilespmem:v44+s17+$0x0], $0xffff;
	v40 =	vsub.s32 v32, v31;
	v36 =	vnsel vm3, $0x0, v61;
	v61 =	vor.u32 s30, v3  }
0xe2: {  	v57 =	vnsel vm2, $0x0, v43;
	v43 =	vld.idx.msk [tilespmem:v47+s17+$0x0], $0xffff;
	v62 =	vnsel vm4, $0x0, v62;
	v63 =	vnsel vm1, $0x0, v63;
	[tilespmem:s29+$0xFFFFFFF0] =	vst v36  }
0xe3: {  	s31 =	simm.s32 $0x4F0;
	vm3 =	vlt.s32 v41, v30;
	vm4 =	vlt.s32 v46, v30;
	vm1 =	vlt.s32 v50, v30;
	[tilespmem:s29+$0xFFFFFFE0] =	vst v62  }
0xe4: {  	v41 =	vld.idx.msk [tilespmem:v60+s17+$0x0], $0xffff;
	v38 =	vsub.s32 v61, v31;
	vm2 =	vlt.s32 v61, v30;
	[tilespmem:s29+$0xFFFFFFD0] =	vst v63;
	v36 =	vor.u32 s31, v3  }
0xe5: {  	s0 =	simm.s32 $0x48;
	s3 =	simm.s32 $0x570;
	s28 =	simm.s32 $0x15F0;
	v46 =	vld.idx.msk [tilespmem:v55+s17+$0x0], $0xffff;
	[tilespmem:s29+$0xFFFFFF90] =	vst v57;
	v49 =	vnsel vm3, $0x0, v53;
	v47 =	vsub.s32 v36, v31;
	v48 =	vnsel vm4, $0x0, v56  }
.LBB2_12:
0xe6: {  	vm3 =	vlt.s32 v34, v30;
	vm4 =	vlt.s32 v39, v30  }
0xe7: {  	s1 =	sadd.s32 $0xFFFFFF90, s3;
	s2 =	sadd.s32 $0xFFFFFFA0, s3;
	s16 =	sadd.s32 $0xFFFFFFB0, s3;
	v50 =	vld.idx.msk [tilespmem:v45+s17+$0x0], $0xffff;
	[tilespmem:s29+$0xFFFFFFA0] =	vst v49;
	v39 =	vnsel vm5, $0x0, v44;
	vm5 =	vmmov vm0;
	vm0 =	vmmov vm2  }
0xe8: {  	s30 =	sadd.s32 $0xFFFFFFE0, s3;
	v34 =	vor.u32 s1, v3;
	v49 =	vor.u32 s2, v3;
	s1 =	sadd.s32 $0xFFFFFFC0, s3;
	s2 =	sadd.s32 $0xFFFFFFD0, s3;
	v43 =	vnsel vm5, $0x0, v43;
	[tilespmem:s29+$0x0] =	vst v39  }
0xe9: {  	s0 =	sadd.s32 $0x8, s0;
	v53 =	vor.u32 s30, v3;
	v51 =	vor.u32 s1, v3;
	v52 =	vor.u32 s2, v3;
	s1 =	sadd.s32 $0xFFFFFFF0, s3;
	[tilespmem:s29+$0xFFFFFFB0] =	vst v43  }
0xea: {  	p1 =	slt.u32 s0, $0x58;
	v54 =	vsub.s32 v34, v31;
	v55 =	vsub.s32 v51, v31;
	v39 =	vor.u32 s1, v3;
	v56 =	vld.idx.msk [tilespmem:v40+s17+$0x0], $0xffff;
	[tilespmem:s29+$0xFFFFFFC0] =	vst v48;
	s29 =	smov.u32 s28  }
0xeb: {  	vm2 =	vlt.s32 v35, v30;
	v48 =	vsub.s32 v52, v31;
	v57 =	vsub.s32 v39, v31;
	v58 =	vld.idx.msk [tilespmem:v37+s17+$0x0], $0xffff  }
0xec: {  	v45 =	vsub.s32 v53, v31;
	v35 =	vmovc v53;
	v40 =	vsub.s32 v49, v31;
	v59 =	vnsel vm4, $0x0, v46;
	v44 =	vld.idx.msk [tilespmem:v47+s17+$0x0], $0xffff  }
.Ltmp5:
0xed: {  	v46 =	vor.u32 s16, v3;
	v37 =	vmovc v55;
	v47 =	vnsel vm3, $0x0, v42;
	v42 =	vnsel vm2, $0x0, v50;
	v43 =	vld.idx.msk [tilespmem:v38+s17+$0x0], $0xffff;
	[tilespmem:s28+$0xFFFFFFF0] =	vst v59;
	(pc) =	sbr.rel @p1 .LBB2_12-.Ltmp5, $4  }
0xee: {  	v41 =	vnsel vm1, $0x0, v41;
	vm2 =	vlt.s32 v46, v30;
	v38 =	vsub.s32 v46, v31;
	[tilespmem:s28+$0xFFFFFFE0] =	vst v42  }
0xef: {  	vm4 =	vlt.s32 v33, v30;
	vm3 =	vlt.s32 v32, v30;
	v32 =	vmov v49;
	v42 =	vld.idx.msk [tilespmem:v54+s17+$0x0], $0xffff;
	[tilespmem:s28+$0xFFFFFFD0] =	vst v41  }
0xf0: {  	vm5 =	vlt.s32 v36, v30;
	v36 =	vor.u32 s3, v3;
	vm1 =	vlt.s32 v52, v30;
	v41 =	vld.idx.msk [tilespmem:v48+s17+$0x0], $0xffff;
	[tilespmem:s28+$0xFFFFFF90] =	vst v47  }
0xf1: {  	s3 =	sadd.s32 $0x80, s3;
	v33 =	vmovc v51;
	v49 =	vnsel vm3, $0x0, v56;
	v47 =	vsub.s32 v36, v31;
	v48 =	vnsel vm4, $0x0, v58;
	s28 =	sadd.s32 $0x80, s28;
	v46 =	vld.idx.msk [tilespmem:v57+s17+$0x0], $0xffff  }
0xf2: {  	_ =	sdelay $0x2  }
0xf3: {  	[tilespmem:s29+$0xFFFFFFA0] =	vst v49  }
0xf4: {  	v45 =	vld.idx.msk [tilespmem:v45+s17+$0x0], $0xffff;
	v44 =	vnsel vm5, $0x0, v44;
	vm0 =	vmmov vm0;
	[tilespmem:s29+$0xFFFFFFC0] =	vst v48  }
0xf5: {  	v40 =	vld.idx.msk [tilespmem:v40+s17+$0x0], $0xffff;
	vm3 =	vlt.s32 v39, v30;
	v43 =	vnsel vm0, $0x0, v43;
	[tilespmem:s29+$0x0] =	vst v44;
	vm0 =	vlt.s32 v34, v30  }
0xf6: {  	v63 =	vld.idx.msk [tilespmem:v47+s17+$0x0], $0xffff;
	vm2 =	vmmov vm2;
	vm4 =	vlt.s32 v35, v30;
	s0 =	simm.s32 $0x600;
	s3 =	simm.s32 $0x660;
	[tilespmem:s29+$0xFFFFFFB0] =	vst v43;
	v49 =	vnsel vm0, $0x0, v42  }
0xf7: {  	v37 =	vld.idx.msk [tilespmem:v37+s17+$0x0], $0xffff;
	s2 =	simm.s32 $0x650;
	s30 =	simm.s32 $0x640;
	v53 =	vor.u32 s0, v3;
	v55 =	vor.u32 s3, v3;
	v51 =	vnsel vm1, $0x0, v41;
	[tilespmem:s28+$0xFFFFFF90] =	vst v49  }
0xf8: {  	v47 =	vld.idx.msk [tilespmem:v38+s17+$0x0], $0xffff;
	s31 =	simm.s32 $0x620;
	v39 =	vor.u32 s2, v3;
	v57 =	vor.u32 s30, v3;
	v48 =	vnsel vm3, $0x0, v46;
	[tilespmem:s28+$0xFFFFFFD0] =	vst v51  }
0xf9: {  	v61 =	vor.u32 s31, v3;
	vm0 =	vlt.s32 v32, v30;
	v50 =	vnsel vm4, $0x0, v45;
	[tilespmem:s28+$0xFFFFFFF0] =	vst v48  }
0xfa: {  	s16 =	simm.s32 $0x630;
	v54 =	vsub.s32 v53, v31;
	vm3 =	vlt.s32 v36, v30;
	v32 =	vnsel vm0, $0x0, v40;
	[tilespmem:s28+$0xFFFFFFE0] =	vst v50  }
0xfb: {  	v42 =	vor.u32 s16, v3;
	vm1 =	vlt.s32 v33, v30;
	v52 =	vnsel vm3, $0x0, v63;
	[tilespmem:s28+$0xFFFFFFA0] =	vst v32  }
0xfc: {  	v56 =	vsub.s32 v55, v31;
	v33 =	vnsel vm1, $0x0, v37;
	vm0 =	vmmov vm2;
	[tilespmem:s28+$0x0] =	vst v52  }
0xfd: {  	s1 =	simm.s32 $0x610;
	s31 =	simm.s32 $0x6C0;
	v58 =	vsub.s32 v39, v31;
	v59 =	vsub.s32 v57, v31;
	v34 =	vnsel vm0, $0x0, v47;
	[tilespmem:s28+$0xFFFFFFC0] =	vst v33  }
0xfe: {  	v62 =	vsub.s32 v61, v31;
	v51 =	vor.u32 s31, v3;
	v37 =	vor.u32 s1, v3;
	[tilespmem:s28+$0xFFFFFFB0] =	vst v34  }
0xff: {  	v40 =	vsub.s32 v42, v31;
	vm1 =	vlt.s32 v57, v30;
	vm2 =	vlt.s32 v53, v30;
	[hbm4b:s12+s17] =	stream.strided.scatter [tilespmem:s23], [sflag:$0x2], $0x200, s18, s17, $0x38;
	[tilespmem:$0x2900] =	vst v63  }
0x100: {  	s2 =	simm.s32 $0x670;
	vm3 =	vlt.s32 v55, v30;
	v55 =	vsub.s32 v51, v31;
	v60 =	vsub.s32 v37, v31;
	v48 =	vld.idx.msk [tilespmem:v54+s17+$0x0], $0xffff  }
0x101: {  	s3 =	simm.s32 $0x680;
	s16 =	simm.s32 $0x690;
	vm4 =	vlt.s32 v39, v30;
	vm0 =	vlt.s32 v61, v30;
	v47 =	vor.u32 s2, v3;
	v49 =	vld.idx.msk [tilespmem:v56+s17+$0x0], $0xffff  }
0x102: {  	s30 =	simm.s32 $0x6B0;
	v32 =	vor.u32 s16, v3;
	v63 =	vsub.s32 v47, v31;
	v34 =	vor.u32 s3, v3;
	v50 =	vld.idx.msk [tilespmem:v58+s17+$0x0], $0xffff  }
0x103: {  	v33 =	vor.u32 s30, v3;
	s16 =	simm.s32 $0x6E0;
	vm0 =	vmmov vm0;
	v53 =	vsub.s32 v34, v31;
	v52 =	vld.idx.msk [tilespmem:v59+s17+$0x0], $0xffff  }
0x104: {  	s30 =	simm.s32 $0x6A0;
	v41 =	vor.u32 s16, v3;
	v36 =	vsub.s32 v33, v31;
	v38 =	vsub.s32 v32, v31;
	v57 =	vld.idx.msk [tilespmem:v40+s17+$0x0], $0xffff  }
0x105: {  	s3 =	simm.s32 $0x6D0;
	v61 =	vor.u32 s30, v3;
	vm5 =	vlt.s32 v47, v30;
	v56 =	vsub.s32 v41, v31;
	v54 =	vld.idx.msk [tilespmem:v60+s17+$0x0], $0xffff  }
0x106: {  	s28 =	simm.s32 $0x1770;
	v35 =	vor.u32 s3, v3;
	v39 =	vsub.s32 v61, v31;
	v43 =	vld.idx.msk [tilespmem:v62+s17+$0x0], $0xffff;
	v60 =	vnsel vm3, $0x0, v49  }
0x107: {  	v44 =	vsub.s32 v35, v31;
	v45 =	vld.idx.msk [tilespmem:v63+s17+$0x0], $0xffff;
	v48 =	vnsel vm2, $0x0, v48;
	v62 =	vnsel vm4, $0x0, v50;
	[tilespmem:s28+$0xFFFFFFF0] =	vst v60  }
0x108: {  	s31 =	simm.s32 $0x6F0;
	v40 =	vld.idx.msk [tilespmem:v53+s17+$0x0], $0xffff;
	vm2 =	vlt.s32 v61, v30;
	v63 =	vnsel vm1, $0x0, v52;
	vm3 =	vlt.s32 v37, v30;
	[tilespmem:s28+$0xFFFFFFE0] =	vst v62  }
0x109: {  	vm4 =	vlt.s32 v42, v30;
	v42 =	vld.idx.msk [tilespmem:v55+s17+$0x0], $0xffff;
	vm1 =	vlt.s32 v51, v30;
	v37 =	vor.u32 s31, v3;
	[tilespmem:s28+$0xFFFFFFD0] =	vst v63  }
0x10a: {  	s0 =	simm.s32 $0x68;
	s29 =	simm.s32 $0x17F0;
	s3 =	simm.s32 $0x770;
	v46 =	vld.idx.msk [tilespmem:v56+s17+$0x0], $0xffff;
	[tilespmem:s28+$0xFFFFFF90] =	vst v48;
	v47 =	vsub.s32 v37, v31;
	v48 =	vnsel vm4, $0x0, v57;
	v49 =	vnsel vm3, $0x0, v54  }
.LBB2_14:
0x10b: {  	vm3 =	vlt.s32 v34, v30;
	vm4 =	vlt.s32 v41, v30  }
0x10c: {  	s1 =	sadd.s32 $0xFFFFFF90, s3;
	s2 =	sadd.s32 $0xFFFFFFA0, s3;
	s16 =	sadd.s32 $0xFFFFFFB0, s3;
	v50 =	vld.idx.msk [tilespmem:v44+s17+$0x0], $0xffff;
	[tilespmem:s28+$0xFFFFFFA0] =	vst v49;
	v41 =	vnsel vm5, $0x0, v45;
	vm5 =	vmmov vm0;
	vm0 =	vmmov vm2  }
0x10d: {  	s30 =	sadd.s32 $0xFFFFFFE0, s3;
	v34 =	vor.u32 s1, v3;
	v49 =	vor.u32 s2, v3;
	s1 =	sadd.s32 $0xFFFFFFC0, s3;
	s2 =	sadd.s32 $0xFFFFFFD0, s3;
	v43 =	vnsel vm5, $0x0, v43;
	[tilespmem:s28+$0x0] =	vst v41  }
0x10e: {  	s0 =	sadd.s32 $0x8, s0;
	v53 =	vor.u32 s30, v3;
	v51 =	vor.u32 s1, v3;
	v52 =	vor.u32 s2, v3;
	s1 =	sadd.s32 $0xFFFFFFF0, s3;
	[tilespmem:s28+$0xFFFFFFB0] =	vst v43  }
0x10f: {  	p1 =	slt.u32 s0, $0x78;
	v54 =	vsub.s32 v34, v31;
	v55 =	vsub.s32 v51, v31;
	v41 =	vor.u32 s1, v3;
	v56 =	vld.idx.msk [tilespmem:v38+s17+$0x0], $0xffff;
	[tilespmem:s28+$0xFFFFFFC0] =	vst v48;
	s28 =	smov.u32 s29  }
0x110: {  	vm2 =	vlt.s32 v35, v30;
	v48 =	vsub.s32 v52, v31;
	v57 =	vsub.s32 v41, v31;
	v58 =	vld.idx.msk [tilespmem:v36+s17+$0x0], $0xffff  }
0x111: {  	v44 =	vsub.s32 v53, v31;
	v35 =	vmovc v53;
	v38 =	vsub.s32 v49, v31;
	v59 =	vnsel vm4, $0x0, v46;
	v45 =	vld.idx.msk [tilespmem:v47+s17+$0x0], $0xffff  }
.Ltmp6:
0x112: {  	v46 =	vor.u32 s16, v3;
	v36 =	vmovc v55;
	v47 =	vnsel vm3, $0x0, v40;
	v40 =	vnsel vm2, $0x0, v50;
	v43 =	vld.idx.msk [tilespmem:v39+s17+$0x0], $0xffff;
	[tilespmem:s29+$0xFFFFFFF0] =	vst v59;
	(pc) =	sbr.rel @p1 .LBB2_14-.Ltmp6, $4  }
0x113: {  	v42 =	vnsel vm1, $0x0, v42;
	vm2 =	vlt.s32 v46, v30;
	v39 =	vsub.s32 v46, v31;
	[tilespmem:s29+$0xFFFFFFE0] =	vst v40  }
0x114: {  	vm4 =	vlt.s32 v33, v30;
	vm3 =	vlt.s32 v32, v30;
	v32 =	vmov v49;
	v40 =	vld.idx.msk [tilespmem:v54+s17+$0x0], $0xffff;
	[tilespmem:s29+$0xFFFFFFD0] =	vst v42  }
0x115: {  	vm5 =	vlt.s32 v37, v30;
	v37 =	vor.u32 s3, v3;
	vm1 =	vlt.s32 v52, v30;
	v42 =	vld.idx.msk [tilespmem:v48+s17+$0x0], $0xffff;
	[tilespmem:s29+$0xFFFFFF90] =	vst v47  }
0x116: {  	s3 =	sadd.s32 $0x80, s3;
	v33 =	vmovc v51;
	v49 =	vnsel vm3, $0x0, v56;
	v47 =	vsub.s32 v37, v31;
	v48 =	vnsel vm4, $0x0, v58;
	s29 =	sadd.s32 $0x80, s29;
	v46 =	vld.idx.msk [tilespmem:v57+s17+$0x0], $0xffff  }
0x117: {  	_ =	sdelay $0x3  }
0x118: {  	v31 =	vld.idx.msk [tilespmem:v44+s17+$0x0], $0xffff;
	[tilespmem:s28+$0xFFFFFFA0] =	vst v49  }
0x119: {  	v59 =	vnsel vm5, $0x0, v45;
	vm0 =	vmmov vm0;
	[tilespmem:s28+$0xFFFFFFC0] =	vst v48;
	v39 =	vld.idx.msk [tilespmem:v39+s17+$0x0], $0xffff  }
0x11a: {  	v43 =	vnsel vm0, $0x0, v43;
	[tilespmem:s28+$0x0] =	vst v59  }
0x11b: {  	vm9 =	vlt.s32 v41, v30;
	v38 =	vld.idx.msk [tilespmem:v38+s17+$0x0], $0xffff;
	vm3 =	vlt.s32 v35, v30;
	[tilespmem:s28+$0xFFFFFFB0] =	vst v43;
	v63 =	vnsel vm1, $0x0, v42  }
0x11c: {  	v61 =	vld.idx.msk [tilespmem:v47+s17+$0x0], $0xffff;
	vm10 =	vlt.s32 v34, v30;
	vm12 =	vmmov vm2;
	v60 =	vnsel vm9, $0x0, v46;
	[tilespmem:s29+$0xFFFFFFD0] =	vst v63  }
0x11d: {  	v62 =	vld.idx.msk [tilespmem:v36+s17+$0x0], $0xffff;
	vm11 =	vlt.s32 v32, v30;
	vm14 =	vmmov vm12;
	v31 =	vnsel vm3, $0x0, v31;
	[tilespmem:s29+$0xFFFFFFF0] =	vst v60  }
0x11e: {  	vm13 =	vlt.s32 v37, v30;
	vm15 =	vlt.s32 v33, v30;
	v30 =	vnsel vm14, $0x0, v39;
	[tilespmem:s29+$0xFFFFFFE0] =	vst v31  }
0x11f: {  	v31 =	vnsel vm10, $0x0, v40;
	[tilespmem:s29+$0xFFFFFFB0] =	vst v30  }
0x120: {  	[tilespmem:s29+$0xFFFFFF90] =	vst v31;
	v31 =	vnsel vm11, $0x0, v38  }
0x121: {  	[tilespmem:s29+$0xFFFFFFA0] =	vst v31;
	v31 =	vnsel vm13, $0x0, v61  }
0x122: {  	[tilespmem:s29+$0x0] =	vst v31;
	v31 =	vnsel vm15, $0x0, v62  }
0x123: {  	[tilespmem:s29+$0xFFFFFFC0] =	vst v31  }
0x124: {  	[hbm4b:s13+s17] =	stream.strided.scatter [tilespmem:s24], [sflag:$0x2], $0x200, s18, s17, $0x38;
	[tilespmem:$0x2900] =	vst v63  }
0x125: {  	_ =	swait.ge [sflag:s25], $0x800  }
0x126: {  	[sflag:s25] =	ssyncset.done $0x0  }
0x127: {  	[sflag:s25] =	ssyncadd.s32 $0xFFFFF800  }
0x128: {  	_ =	swait.ge [sflag:s25], $0x800  }
0x129: {  	[sflag:s25] =	ssyncset.done $0x0  }
0x12a: {  	[sflag:s25] =	ssyncadd.s32 $0xFFFFF800  }
0x12b: {  	_ =	swait.ge [sflag:s25], $0x400  }
0x12c: {  	[sflag:s25] =	ssyncset.done $0x0  }
0x12d: {  	s26 =	sadd.s32 $0x1, s26;
	[sflag:s25] =	ssyncadd.s32 $0xFFFFFC00  }
0x12e: {  	p1 =	sne.s32 s26, s14;
	_ =	swait.ge [sflag:s25], $0x200  }
.Ltmp7:
0x12f: {  	[sflag:s25] =	ssyncset.done $0x0;
	(pc) =	sbr.rel @p1 .LBB2_1-.Ltmp7, $4  }
.Ltmp8:
0x130: {  	[sflag:s25] =	ssyncadd.s32 $0xFFFFFE00;
	(pc) =	sbr.rel @!p1 .LBB2_16-.Ltmp8, $4  }
0x131: {  	_ =	swait.ge [sflag:s25], $0x200  }
0x132: {  	[sflag:s25] =	ssyncset.done $0x0  }
0x133: {  	[sflag:s25] =	ssyncadd.s32 $0xFFFFFE00  }
0x134: {  	_ = 	snop  }
.LBB2_6:
.Ltmp9:
0x135: {  	(pc) =	sbr.rel .LBB2_11-.Ltmp9, $2  }
0x136: {  	_ =	sdelay $0x2  }
0x137: {  	_ = 	snop  }
.LBB2_8:
.Ltmp10:
0x138: {  	(pc) =	sbr.rel .LBB2_11-.Ltmp10, $2  }
0x139: {  	_ =	sdelay $0x2  }
0x13a: {  	s0 =	smov.u32 s28;
	s28 =	smov.u32 s3;
	v53 =	vmovc v44;
	v51 =	vmovc v41;
	v47 =	vmov v39;
	v48 =	vmov v43;
	v50 =	vmov v45  }
.LBB2_16:
0x13b: {  	_ =	sfence.sel $0x180000  }
0x13c: {  	[bflag:$0x0] =	sbarrier.arrive $0xFFFF  }
0x13d: {  	_ =	strace $0x90000047  }
0x13e: {  	s0 =	stileid.u32;
	[bflag:$0x2] =	sbarrier.arrive $0xFFFF  }
0x13f: {  	p0 =	sne.s32 s0, $0x0;
	s0 =	rddreg [dreg:$0x6]  }
0x140: {  	s0 =	sadd.s32 @!p0 $0x100000, s0  }
0x141: {  	[sflag:s0] =	ssyncadd.tile.s32 @!p0 $0x1;
	_ =	shalt  }
.Lfunc_end2:
_tile_overlayer_lowered:
.L_overlay_start_2:
0x142: {  	(tag) =	ssettag $0x2  }
0x143: {  	s0 =	rddreg [dreg:$0x0];
	s2 =	stileid.u32  }
0x144: {  	s1 =	rddreg [dreg:$0x1];
	p0 =	sne.s32 s2, $0x0  }
0x145: {  	s3 =	rddreg [dreg:$0x2];
	[bflag:$0x3] =	sbarrier.arrive $0xFFFF;
	s2 =	simm.s32 @!p0 $0x1C03  }
0x146: {  	[timem:s3], [sflag:s2] =	dma.local @!p0 [hbm:s0], s1  }
0x147: {  	s0 =	simm.s32 @!p0 $0x3  }
0x148: {  	_ =	swait.ge @!p0 [sflag:s0], s1  }
0x149: {  	s1 =	ssub.s32 @!p0 $0x0, s1;
	[sflag:s0] =	ssyncset.done @!p0 $0x0  }
0x14a: {  	[sflag:s0] =	ssyncadd.s32 @!p0 s1  }
0x14b: {  	[bflag:$0x3] =	sbarrier.arrive $0xFFFF  }
0x14c: {  	_ =	shalt  }

</sc_bundles>
